<compile_context>
chip_gen: v7x
topology: tpu7x:2x2x1
jax: 0.10.2.dev20260603
libtpu: 0.0.44.dev20260713+nightly
codegen_flags: <defaults>
</compile_context>

<pallas_src>
import functools

import jax
import jax.numpy as jnp
from jax import lax
from jax.experimental import pallas as pl
from jax.experimental.pallas import tpu as pltpu
from jax.experimental.pallas import tpu_sc as plsc

H = 128
W = 128
ROWS = 8
NS = H // ROWS
CHUNK = 512
CHUNK_SHIFT = 9
SB = 8
EPS_T = 1e-3
LN255 = 5.5412635451584258
SENT = (1e9, 1e9, -0.5, 0.0, -0.5, 0.0, 0.0, 0.0, 0.0)
CSCALE = (1.0, 1.0, -0.5, -1.0, -0.5, 1.0, 1.0, 1.0, 1.0)


def _prepass_kernel(dsm_ref, dv_ref, my_ref, co_ref, op_ref, rank_ref, sr_ref):
    dv = dv_ref[0]
    G = dv.shape[0] * dv.shape[1]
    idxv = (jax.lax.broadcasted_iota(jnp.int32, dv.shape, 0) * dv.shape[1]
            + jax.lax.broadcasted_iota(jnp.int32, dv.shape, 1))

    def body(j, acc):
        dj = dsm_ref[0, 0, j]
        cond = (dj < dv) | ((dj == dv) & (idxv > j))
        return acc + cond.astype(jnp.int32)

    rank = jax.lax.fori_loop(0, G, body, jnp.zeros(dv.shape, jnp.int32),
                             unroll=32)
    rank_ref[0] = rank

    my = my_ref[0]
    ca = co_ref[0, 0]
    cb = co_ref[0, 1]
    cc = co_ref[0, 2]
    op = op_ref[0]
    lnt = jnp.log(op) + LN255
    ceff = cc - cb * cb / ca
    dy = jnp.sqrt(jnp.maximum(2.0 * lnt / ceff, 0.0)) + 0.6
    s0 = jnp.clip(jnp.floor((my - dy - (ROWS - 0.5)) / ROWS), 0, NS - 1)
    s1 = jnp.clip(jnp.floor((my + dy - 0.5) / ROWS), 0, NS - 1)
    sr_ref[0] = s0.astype(jnp.int32) + s1.astype(jnp.int32) * 256


def _sc_build_kernel(rank_hbm, sr_hbm, params_hbm, lists_hbm, counts_hbm,
                     rank_v, sr_v, params_v, order_v, obuf, cnt_v):
    G = rank_v.shape[0]
    wid = lax.axis_index("s") * 2 + lax.axis_index("c")
    b = wid // NS
    s = wid % NS

    pltpu.sync_copy(rank_hbm.at[b], rank_v)
    pltpu.sync_copy(sr_hbm.at[b], sr_v)
    pltpu.sync_copy(params_hbm.at[b], params_v)

    iota = jax.lax.iota(jnp.int32, 16)

    def inv_body(j, carry):
        rk = rank_v[pl.ds(j * 16, 16)]
        plsc.store_scatter(order_v, [rk], iota + j * 16)
        return carry

    jax.lax.fori_loop(0, G // 16, inv_body, 0)

    def build_body(j, off):
        idxs = order_v[pl.ds(j * 16, 16)]
        srs = plsc.load_gather(sr_v, [idxs])
        lo = jnp.bitwise_and(srs, 255)
        hi = jax.lax.shift_right_logical(srs, 8)
        m = (lo <= s) & (s <= hi)
        cum = plsc.cumsum(m.astype(jnp.int32))
        pos = off + cum - 1
        ck = jax.lax.shift_right_logical(pos, CHUNK_SHIFT)
        col = jnp.bitwise_and(pos, CHUNK - 1)
        idx9 = idxs * 9
        for k in range(9):
            v = plsc.load_gather(params_v, [idx9 + k])
            if CSCALE[k] != 1.0:
                v = v * CSCALE[k]
            plsc.store_scatter(obuf, [ck, jnp.full((16,), k, jnp.int32), col],
                               v, mask=m)
        return off + jnp.max(cum)

    off = jax.lax.fori_loop(0, G // 16, build_body, 0)

    ceil_off = jnp.bitwise_and(off + (CHUNK - 1), ~jnp.int32(CHUNK - 1))

    def pad_body(t, carry):
        pos = off + t * 16 + iota
        m2 = pos < ceil_off
        ck = jax.lax.shift_right_logical(pos, CHUNK_SHIFT)
        col = jnp.bitwise_and(pos, CHUNK - 1)
        for k in range(9):
            plsc.store_scatter(obuf, [ck, jnp.full((16,), k, jnp.int32), col],
                               jnp.full((16,), SENT[k], jnp.float32), mask=m2)
        return carry

    jax.lax.fori_loop(0, CHUNK // 16, pad_body, 0)

    cnt_v[...] = jnp.full((16,), off, jnp.int32)
    pltpu.sync_copy(obuf, lists_hbm.at[b, s])
    pltpu.sync_copy(cnt_v, counts_hbm.at[b, s])


def _composite_kernel(cnts_ref, params_ref, out_ref,
                      t_ref, ar_ref, ag_ref, ab_ref):
    b = pl.program_id(0)
    s = pl.program_id(1)
    c = pl.program_id(2)
    n_chunks = pl.num_programs(2)

    px = jax.lax.broadcasted_iota(jnp.int32, (ROWS, W), 1).astype(jnp.float32) + 0.5
    py = (jax.lax.broadcasted_iota(jnp.int32, (ROWS, W), 0).astype(jnp.float32)
          + (s.astype(jnp.float32) * ROWS + 0.5))

    @pl.when(c == 0)
    def _init():
        t_ref[...] = jnp.ones((ROWS, W), jnp.float32)
        ar_ref[...] = jnp.zeros((ROWS, W), jnp.float32)
        ag_ref[...] = jnp.zeros((ROWS, W), jnp.float32)
        ab_ref[...] = jnp.zeros((ROWS, W), jnp.float32)

    cnt = cnts_ref[b * NS + s]

    @pl.when(c * CHUNK < cnt)
    def _work():
        def one(g, t, ar, ag, ab):
            mx = params_ref[0, 0, 0, 0, g]
            my = params_ref[0, 0, 0, 1, g]
            ca = params_ref[0, 0, 0, 2, g]
            cb = params_ref[0, 0, 0, 3, g]
            cc = params_ref[0, 0, 0, 4, g]
            colr = params_ref[0, 0, 0, 5, g]
            colg = params_ref[0, 0, 0, 6, g]
            colb = params_ref[0, 0, 0, 7, g]
            op = params_ref[0, 0, 0, 8, g]

            dx = px - mx
            dy = py - my
            msig = dx * (ca * dx + cb * dy) + cc * (dy * dy)
            e = jnp.exp(msig)
            al = op * e
            al = jnp.where(al > (1.0 / 255.0), al, 0.0)
            w = al * t
            ar = ar + w * colr
            ag = ag + w * colg
            ab = ab + w * colb
            t = t - w
            return t, ar, ag, ab

        t0 = t_ref[...]

        @pl.when(jnp.max(t0) > EPS_T)
        def _blend():
            rem = cnt - c * CHUNK

            def blk(k, carry):
                @pl.when(k * SB < rem)
                def _run():
                    t = t_ref[...]
                    ar = ar_ref[...]
                    ag = ag_ref[...]
                    ab = ab_ref[...]
                    for u in range(SB):
                        t, ar, ag, ab = one(k * SB + u, t, ar, ag, ab)
                    t_ref[...] = t
                    ar_ref[...] = ar
                    ag_ref[...] = ag
                    ab_ref[...] = ab
                return carry

            jax.lax.fori_loop(0, CHUNK // SB, blk, 0)

    @pl.when(c == n_chunks - 1)
    def _emit():
        out_ref[0, 0] = ar_ref[...]
        out_ref[0, 1] = ag_ref[...]
        out_ref[0, 2] = ab_ref[...]


def kernel(means2d, conics, colors, opacities, depths):
    B, G, _ = means2d.shape
    R = G // W
    NCH = G // CHUNK + 1
    assert B * NS == 32

    rank, sr = pl.pallas_call(
        _prepass_kernel,
        grid=(B,),
        in_specs=[
            pl.BlockSpec((1, 1, G), lambda b: (b, 0, 0),
                         memory_space=pltpu.SMEM),
            pl.BlockSpec((1, R, W), lambda b: (b, 0, 0)),
            pl.BlockSpec((1, R, W), lambda b: (b, 0, 0)),
            pl.BlockSpec((1, 3, R, W), lambda b: (b, 0, 0, 0)),
            pl.BlockSpec((1, R, W), lambda b: (b, 0, 0)),
        ],
        out_specs=[
            pl.BlockSpec((1, R, W), lambda b: (b, 0, 0)),
            pl.BlockSpec((1, R, W), lambda b: (b, 0, 0)),
        ],
        out_shape=[
            jax.ShapeDtypeStruct((B, R, W), jnp.int32),
            jax.ShapeDtypeStruct((B, R, W), jnp.int32),
        ],
    )(
        depths.reshape(B, 1, G),
        depths.reshape(B, R, W),
        means2d[..., 1].reshape(B, R, W),
        conics.reshape(B, R, W, 3).transpose(0, 3, 1, 2),
        opacities.reshape(B, R, W),
    )

    params = jnp.concatenate(
        [means2d, conics, colors, opacities[..., None]], axis=-1)

    sc_build = functools.partial(
        pl.kernel,
        out_type=[
            jax.ShapeDtypeStruct((B, NS, NCH, 9, CHUNK), jnp.float32),
            jax.ShapeDtypeStruct((B, NS, 16), jnp.int32),
        ],
        mesh=plsc.VectorSubcoreMesh(core_axis_name="c", subcore_axis_name="s"),
        scratch_types=[
            pltpu.VMEM((G,), jnp.int32),
            pltpu.VMEM((G,), jnp.int32),
            pltpu.VMEM((G * 9,), jnp.float32),
            pltpu.VMEM((G,), jnp.int32),
            pltpu.VMEM((NCH, 9, CHUNK), jnp.float32),
            pltpu.VMEM((16,), jnp.int32),
        ],
        compiler_params=pltpu.CompilerParams(needs_layout_passes=False),
    )(_sc_build_kernel)
    lists, counts = sc_build(rank.reshape(B, G), sr.reshape(B, G),
                             params.reshape(B, G * 9))

    def _params_map(b, s, c, cnts):
        used = (cnts[b * NS + s] + CHUNK - 1) // CHUNK
        cc = jnp.minimum(c, jnp.maximum(used - 1, 0))
        return (b, s, cc, 0, 0)

    out = pl.pallas_call(
        _composite_kernel,
        grid_spec=pltpu.PrefetchScalarGridSpec(
            num_scalar_prefetch=1,
            grid=(B, NS, NCH),
            in_specs=[
                pl.BlockSpec((1, 1, 1, 9, CHUNK), _params_map,
                             memory_space=pltpu.SMEM),
            ],
            out_specs=pl.BlockSpec((1, 3, ROWS, W),
                                   lambda b, s, c, cnts: (b, 0, s, 0)),
            scratch_shapes=[pltpu.VMEM((ROWS, W), jnp.float32)] * 4,
        ),
        out_shape=jax.ShapeDtypeStruct((B, 3, H, W), jnp.float32),
        compiler_params=pltpu.CompilerParams(
            dimension_semantics=("arbitrary", "arbitrary", "arbitrary"),
        ),
    )(counts[:, :, 0].reshape(B * NS), lists)
    return jnp.transpose(out, (0, 2, 3, 1))

# --- scband reference (transcript-rebuilt; emitter-appended) ---
"""Pipeline reference for scband-projected-gaussian-rasterizer-7421703487871 (READ-ONLY COPY).

The authoritative reference and input builder live on the scoring server;
editing this copy changes nothing except your own understanding.
"""

import jax, jax.numpy as jnp
import numpy as np

H = 128
W = 128
CHUNK = 256


def setup_inputs(seed: int = 0) -> dict:
    key = jax.random.key(seed)
    k1, k2, k3, k4, k5 = jax.random.split(key, 5)
    B, G = 2, 4096
    means2d = jax.random.uniform(k1, (B, G, 2), dtype=jnp.float32) * jnp.array([W, H], dtype=jnp.float32)
    u = jax.random.uniform(k2, (B, G, 3), dtype=jnp.float32)
    a = 0.05 + 0.25 * u[..., 0]
    c = 0.05 + 0.25 * u[..., 1]
    b = 0.4 * jnp.sqrt(a * c) * (2.0 * u[..., 2] - 1.0)
    conics = jnp.stack([a, b, c], axis=-1)
    colors = jax.random.uniform(k3, (B, G, 3), dtype=jnp.float32)
    opacities = 0.05 + 0.9 * jax.random.uniform(k4, (B, G), dtype=jnp.float32)
    depths = jax.random.uniform(k5, (B, G), dtype=jnp.float32) * 10.0
    return {
        'means2d': means2d,
        'conics': conics,
        'colors': colors,
        'opacities': opacities,
        'depths': depths,
    }


def reference(means2d, conics, colors, opacities, depths):
    # Faithful math of projected-gaussian alpha compositing: depth-sort gaussians
    # front-to-back, per-pixel conic falloff alpha, transmittance-weighted blend.
    B, G, _ = means2d.shape
    order = jnp.argsort(depths, axis=1)  # front-to-back
    m = jnp.take_along_axis(means2d, order[..., None], axis=1)
    co = jnp.take_along_axis(conics, order[..., None], axis=1)
    cl = jnp.take_along_axis(colors, order[..., None], axis=1)
    op = jnp.take_along_axis(opacities, order, axis=1)

    xs = (jnp.arange(W, dtype=jnp.float32) + 0.5)
    ys = (jnp.arange(H, dtype=jnp.float32) + 0.5)
    px = xs[None, :]  # broadcast to [H, W]
    py = ys[:, None]

    n_chunks = G // CHUNK
    m_s = m.reshape(B, n_chunks, CHUNK, 2).transpose(1, 0, 2, 3)
    co_s = co.reshape(B, n_chunks, CHUNK, 3).transpose(1, 0, 2, 3)
    cl_s = cl.reshape(B, n_chunks, CHUNK, 3).transpose(1, 0, 2, 3)
    op_s = op.reshape(B, n_chunks, CHUNK).transpose(1, 0, 2)

    def body(carry, chunk):
        T, acc = carry
        mc, cc, clc, opc = chunk
        dx = px[None, None, :, :] - mc[..., 0][:, :, None, None]  # [B,C,H,W]
        dy = py[None, None, :, :] - mc[..., 1][:, :, None, None]
        a = cc[..., 0][:, :, None, None]
        b = cc[..., 1][:, :, None, None]
        c = cc[..., 2][:, :, None, None]
        sigma = 0.5 * (a * dx * dx + c * dy * dy) + b * dx * dy
        alpha = jnp.where(
            sigma >= 0.0,
            jnp.minimum(0.999, opc[:, :, None, None] * jnp.exp(-sigma)),
            0.0,
        )
        alpha = jnp.where(alpha > 1.0 / 255.0, alpha, 0.0)
        cum = jnp.cumprod(1.0 - alpha, axis=1)  # [B,C,H,W]
        T_before = jnp.concatenate([jnp.ones_like(cum[:, :1]), cum[:, :-1]], axis=1) * T[:, None]
        wgt = alpha * T_before  # [B,C,H,W]
        acc = acc + jnp.einsum('bghw,bgd->bhwd', wgt, clc)
        T = T * cum[:, -1]
        return (T, acc), None

    T0 = jnp.ones((B, H, W), dtype=jnp.float32)
    acc0 = jnp.zeros((B, H, W, 3), dtype=jnp.float32)
    (T, img), _ = jax.lax.scan(body, (T0, acc0), (m_s, co_s, cl_s, op_s))
    return img

if __name__ == "__main__":
    import jax
    _d = setup_inputs()
    print(jax.jit(kernel)(*tuple(_d.values())))

</pallas_src>

<mosaic_0001>
#map = affine_map<(d0, d1) -> (0, 0)>
#map1 = affine_map<(d0, d1) -> (0, 0, 0, 0, 0)>
#map2 = affine_map<(d0, d1) -> (0, 0, 0)>
module attributes {stable_mosaic.version = 14 : i64} {
  func.func @_sc_build_kernel(%arg0: i32, %arg1: i32, %arg2: memref<2x4096xi32, #tpu.memory_space<hbm>>, %arg3: memref<2x4096xi32, #tpu.memory_space<hbm>>, %arg4: memref<2x36864xf32, #tpu.memory_space<hbm>>, %arg5: memref<2x16x17x9x256xf32, #tpu.memory_space<hbm>>, %arg6: memref<2x16x16xi32, #tpu.memory_space<hbm>>, %arg7: memref<4096xi32, #tpu.memory_space<vmem>>, %arg8: memref<4096xi32, #tpu.memory_space<vmem>>, %arg9: memref<36864xf32, #tpu.memory_space<vmem>>, %arg10: memref<4096xi32, #tpu.memory_space<vmem>>, %arg11: memref<17x9x256xf32, #tpu.memory_space<vmem>>, %arg12: memref<16xi32, #tpu.memory_space<vmem>>) attributes {dimension_semantics = [#tpu.dimension_semantics<core_parallel>, #tpu.dimension_semantics<subcore_parallel>], iteration_bounds = array<i64: 2, 16>, scalar_prefetch = 0 : i64, scratch_operands = 6 : i64, tpu.core_type = #tpu.core_type<sc_vector_subcore>, window_params = [{transform_indices = #map}, {transform_indices = #map}, {transform_indices = #map}, {transform_indices = #map1}, {transform_indices = #map2}]} {
    %mul3A = arith.constant 2 : i32
    %mul3A_0 = arith.muli %arg1, %mul3A : i32
    %add3A = arith.addi %mul3A_0, %arg0 : i32
    %jit3A = arith.constant 16 : i32
    %div3A = arith.divsi %add3A, %jit3A : i32
    %sign3A = arith.constant 0 : i32
    %sign3A_1 = arith.cmpi sgt, %add3A, %sign3A : i32
    %sign3A_2 = arith.extui %sign3A_1 : i1 to i32
    %sign3A_3 = arith.constant 0 : i32
    %sign3A_4 = arith.cmpi slt, %add3A, %sign3A_3 : i32
    %sign3A_5 = arith.extui %sign3A_4 : i1 to i32
    %sign3A_6 = arith.subi %sign3A_2, %sign3A_5 : i32
    %sign3A_7 = arith.constant 0 : i32
    %sign3A_8 = arith.cmpi sgt, %jit3A, %sign3A_7 : i32
    %sign3A_9 = arith.extui %sign3A_8 : i1 to i32
    %sign3A_10 = arith.constant 0 : i32
    %sign3A_11 = arith.cmpi slt, %jit3A, %sign3A_10 : i32
    %sign3A_12 = arith.extui %sign3A_11 : i1 to i32
    %sign3A_13 = arith.subi %sign3A_9, %sign3A_12 : i32
    %ne3A = arith.cmpi ne, %sign3A_6, %sign3A_13 : i32
    %rem3A = arith.remsi %add3A, %jit3A : i32
    %ne3A_14 = arith.constant 0 : i32
    %ne3A_15 = arith.cmpi ne, %rem3A, %ne3A_14 : i32
    %and3A = arith.andi %ne3A, %ne3A_15 : i1
    %sub3A = arith.constant 1 : i32
    %sub3A_16 = arith.subi %div3A, %sub3A : i32
    %select_n3A = arith.select %and3A, %sub3A_16, %div3A : i32
    %jit3A_17 = arith.constant 16 : i32
    %eq3A = arith.constant 0 : i32
    %eq3A_18 = arith.cmpi eq, %jit3A_17, %eq3A : i32
    %jit3A_19 = arith.constant 1 : i32
    %select_n3A_20 = arith.select %eq3A_18, %jit3A_19, %jit3A_17 : i32
    %rem3A_21 = arith.remsi %add3A, %select_n3A_20 : i32
    %ne3A_22 = arith.constant 0 : i32
    %ne3A_23 = arith.cmpi ne, %rem3A_21, %ne3A_22 : i32
    %lt3A = arith.constant 0 : i32
    %lt3A_24 = arith.cmpi slt, %rem3A_21, %lt3A : i32
    %lt3A_25 = arith.constant 0 : i32
    %lt3A_26 = arith.cmpi slt, %select_n3A_20, %lt3A_25 : i32
    %ne3A_27 = arith.xori %lt3A_24, %lt3A_26 : i1
    %and3A_28 = arith.andi %ne3A_27, %ne3A_23 : i1
    %add3A_29 = arith.addi %rem3A_21, %select_n3A_20 : i32
    %select_n3A_30 = arith.select %and3A_28, %add3A_29, %rem3A_21 : i32
    "tpu.region"() ({
      %run_scoped3A = tpu.sem_alloc : memref<!tpu.dma_semaphore, #tpu.memory_space<semaphore_mem>>
      %dma_start3A = arith.constant 0 : i32
      %dma_start3A_55 = tpu.memref_slice %arg2[%select_n3A, %dma_start3A] : memref<2x4096xi32, #tpu.memory_space<hbm>> -> memref<1x4096xi32, #tpu.memory_space<hbm>>
      %dma_start3A_56 = tpu.memref_squeeze %dma_start3A_55 : memref<1x4096xi32, #tpu.memory_space<hbm>> -> memref<4096xi32, #tpu.memory_space<hbm>>
      %dma_start3A_57 = arith.constant 0 : i32
      %dma_start3A_58 = tpu.memref_slice %arg2[%select_n3A, %dma_start3A_57] : memref<2x4096xi32, #tpu.memory_space<hbm>> -> memref<1x4096xi32, #tpu.memory_space<hbm>>
      %dma_start3A_59 = tpu.memref_squeeze %dma_start3A_58 : memref<1x4096xi32, #tpu.memory_space<hbm>> -> memref<4096xi32, #tpu.memory_space<hbm>>
      tpu.enqueue_dma source(%dma_start3A_59 : memref<4096xi32, #tpu.memory_space<hbm>>) target(%arg7 : memref<4096xi32, #tpu.memory_space<vmem>>) target_semaphore(%run_scoped3A : memref<!tpu.dma_semaphore, #tpu.memory_space<semaphore_mem>>)
      %dma_wait3A = arith.constant 0 : i32
      %dma_wait3A_60 = tpu.memref_slice %arg2[%select_n3A, %dma_wait3A] : memref<2x4096xi32, #tpu.memory_space<hbm>> -> memref<1x4096xi32, #tpu.memory_space<hbm>>
      %dma_wait3A_61 = tpu.memref_squeeze %dma_wait3A_60 : memref<1x4096xi32, #tpu.memory_space<hbm>> -> memref<4096xi32, #tpu.memory_space<hbm>>
      %dma_wait3A_62 = arith.constant 0 : i32
      %dma_wait3A_63 = tpu.memref_slice %arg2[%select_n3A, %dma_wait3A_62] : memref<2x4096xi32, #tpu.memory_space<hbm>> -> memref<1x4096xi32, #tpu.memory_space<hbm>>
      %dma_wait3A_64 = tpu.memref_squeeze %dma_wait3A_63 : memref<1x4096xi32, #tpu.memory_space<hbm>> -> memref<4096xi32, #tpu.memory_space<hbm>>
      tpu.wait_dma2 semaphore(%run_scoped3A : memref<!tpu.dma_semaphore, #tpu.memory_space<semaphore_mem>>) src(%dma_wait3A_64 : memref<4096xi32, #tpu.memory_space<hbm>>) dst(%arg7 : memref<4096xi32, #tpu.memory_space<vmem>>)
      tpu.yield
    }) : () -> ()
    "tpu.region"() ({
      %run_scoped3A = tpu.sem_alloc : memref<!tpu.dma_semaphore, #tpu.memory_space<semaphore_mem>>
      %dma_start3A = arith.constant 0 : i32
      %dma_start3A_55 = tpu.memref_slice %arg3[%select_n3A, %dma_start3A] : memref<2x4096xi32, #tpu.memory_space<hbm>> -> memref<1x4096xi32, #tpu.memory_space<hbm>>
      %dma_start3A_56 = tpu.memref_squeeze %dma_start3A_55 : memref<1x4096xi32, #tpu.memory_space<hbm>> -> memref<4096xi32, #tpu.memory_space<hbm>>
      %dma_start3A_57 = arith.constant 0 : i32
      %dma_start3A_58 = tpu.memref_slice %arg3[%select_n3A, %dma_start3A_57] : memref<2x4096xi32, #tpu.memory_space<hbm>> -> memref<1x4096xi32, #tpu.memory_space<hbm>>
      %dma_start3A_59 = tpu.memref_squeeze %dma_start3A_58 : memref<1x4096xi32, #tpu.memory_space<hbm>> -> memref<4096xi32, #tpu.memory_space<hbm>>
      tpu.enqueue_dma source(%dma_start3A_59 : memref<4096xi32, #tpu.memory_space<hbm>>) target(%arg8 : memref<4096xi32, #tpu.memory_space<vmem>>) target_semaphore(%run_scoped3A : memref<!tpu.dma_semaphore, #tpu.memory_space<semaphore_mem>>)
      %dma_wait3A = arith.constant 0 : i32
      %dma_wait3A_60 = tpu.memref_slice %arg3[%select_n3A, %dma_wait3A] : memref<2x4096xi32, #tpu.memory_space<hbm>> -> memref<1x4096xi32, #tpu.memory_space<hbm>>
      %dma_wait3A_61 = tpu.memref_squeeze %dma_wait3A_60 : memref<1x4096xi32, #tpu.memory_space<hbm>> -> memref<4096xi32, #tpu.memory_space<hbm>>
      %dma_wait3A_62 = arith.constant 0 : i32
      %dma_wait3A_63 = tpu.memref_slice %arg3[%select_n3A, %dma_wait3A_62] : memref<2x4096xi32, #tpu.memory_space<hbm>> -> memref<1x4096xi32, #tpu.memory_space<hbm>>
      %dma_wait3A_64 = tpu.memref_squeeze %dma_wait3A_63 : memref<1x4096xi32, #tpu.memory_space<hbm>> -> memref<4096xi32, #tpu.memory_space<hbm>>
      tpu.wait_dma2 semaphore(%run_scoped3A : memref<!tpu.dma_semaphore, #tpu.memory_space<semaphore_mem>>) src(%dma_wait3A_64 : memref<4096xi32, #tpu.memory_space<hbm>>) dst(%arg8 : memref<4096xi32, #tpu.memory_space<vmem>>)
      tpu.yield
    }) : () -> ()
    "tpu.region"() ({
      %run_scoped3A = tpu.sem_alloc : memref<!tpu.dma_semaphore, #tpu.memory_space<semaphore_mem>>
      %dma_start3A = arith.constant 0 : i32
      %dma_start3A_55 = tpu.memref_slice %arg4[%select_n3A, %dma_start3A] : memref<2x36864xf32, #tpu.memory_space<hbm>> -> memref<1x36864xf32, #tpu.memory_space<hbm>>
      %dma_start3A_56 = tpu.memref_squeeze %dma_start3A_55 : memref<1x36864xf32, #tpu.memory_space<hbm>> -> memref<36864xf32, #tpu.memory_space<hbm>>
      %dma_start3A_57 = arith.constant 0 : i32
      %dma_start3A_58 = tpu.memref_slice %arg4[%select_n3A, %dma_start3A_57] : memref<2x36864xf32, #tpu.memory_space<hbm>> -> memref<1x36864xf32, #tpu.memory_space<hbm>>
      %dma_start3A_59 = tpu.memref_squeeze %dma_start3A_58 : memref<1x36864xf32, #tpu.memory_space<hbm>> -> memref<36864xf32, #tpu.memory_space<hbm>>
      tpu.enqueue_dma source(%dma_start3A_59 : memref<36864xf32, #tpu.memory_space<hbm>>) target(%arg9 : memref<36864xf32, #tpu.memory_space<vmem>>) target_semaphore(%run_scoped3A : memref<!tpu.dma_semaphore, #tpu.memory_space<semaphore_mem>>)
      %dma_wait3A = arith.constant 0 : i32
      %dma_wait3A_60 = tpu.memref_slice %arg4[%select_n3A, %dma_wait3A] : memref<2x36864xf32, #tpu.memory_space<hbm>> -> memref<1x36864xf32, #tpu.memory_space<hbm>>
      %dma_wait3A_61 = tpu.memref_squeeze %dma_wait3A_60 : memref<1x36864xf32, #tpu.memory_space<hbm>> -> memref<36864xf32, #tpu.memory_space<hbm>>
      %dma_wait3A_62 = arith.constant 0 : i32
      %dma_wait3A_63 = tpu.memref_slice %arg4[%select_n3A, %dma_wait3A_62] : memref<2x36864xf32, #tpu.memory_space<hbm>> -> memref<1x36864xf32, #tpu.memory_space<hbm>>
      %dma_wait3A_64 = tpu.memref_squeeze %dma_wait3A_63 : memref<1x36864xf32, #tpu.memory_space<hbm>> -> memref<36864xf32, #tpu.memory_space<hbm>>
      tpu.wait_dma2 semaphore(%run_scoped3A : memref<!tpu.dma_semaphore, #tpu.memory_space<semaphore_mem>>) src(%dma_wait3A_64 : memref<36864xf32, #tpu.memory_space<hbm>>) dst(%arg9 : memref<36864xf32, #tpu.memory_space<vmem>>)
      tpu.yield
    }) : () -> ()
    %iota3A = tpu.iota {dimensions = array<i32: 0>} : vector<16xi32>
    %scan3A = arith.constant 0 : i32
    %scan3A_31 = arith.constant 0 : i32
    %scan3A_32 = arith.constant 256 : i32
    %scan3A_33 = arith.addi %scan3A_31, %scan3A_32 : i32
    %scan3A_34 = arith.constant 1 : i32
    scf.for %scan3A_55 = %scan3A_31 to %scan3A_33 step %scan3A_34  : i32 {
      %mul3A_56 = arith.constant 16 : i32
      %mul3A_57 = arith.muli %scan3A_55, %mul3A_56 : i32
      %get3A = arith.index_cast %mul3A_57 : i32 to index
      %get3A_58 = tpu.vector_load %arg7[%get3A] {strides = array<i32>} : memref<4096xi32, #tpu.memory_space<vmem>>, vector<16xi32>,
      %mul3A_59 = arith.constant 16 : i32
      %mul3A_60 = arith.muli %scan3A_55, %mul3A_59 : i32
      %add3A_61 = vector.broadcast %mul3A_60 : i32 to vector<16xi32>
      %add3A_62 = arith.addi %iota3A, %add3A_61 : vector<16xi32>
      tpu.vector_store_idx %arg10[%get3A_58], %add3A_62 : memref<4096xi32, #tpu.memory_space<vmem>>[vector<16xi32>], vector<16xi32>,
    }
    %scan3A_35 = arith.constant 256 : i32
    %scan3A_36 = arith.constant 0 : i32
    %scan3A_37 = arith.constant 0 : i32
    %scan3A_38 = arith.constant 256 : i32
    %scan3A_39 = arith.addi %scan3A_37, %scan3A_38 : i32
    %scan3A_40 = arith.constant 1 : i32
    %scan3A_41 = scf.for %scan3A_55 = %scan3A_37 to %scan3A_39 step %scan3A_40 iter_args(%scan3A_56 = %scan3A_36) -> (i32)  : i32 {
      %mul3A_57 = arith.constant 16 : i32
      %mul3A_58 = arith.muli %scan3A_55, %mul3A_57 : i32
      %get3A = arith.index_cast %mul3A_58 : i32 to index
      %get3A_59 = tpu.vector_load %arg10[%get3A] {strides = array<i32>} : memref<4096xi32, #tpu.memory_space<vmem>>, vector<16xi32>,
      %gather3A = tpu.vector_load_idx %arg8[%get3A_59] : memref<4096xi32, #tpu.memory_space<vmem>>[vector<16xi32>], vector<16xi32>,
      %and3A_60 = arith.constant 255 : i32
      %and3A_61 = vector.broadcast %and3A_60 : i32 to vector<16xi32>
      %and3A_62 = arith.andi %gather3A, %and3A_61 : vector<16xi32>
      %shift_right_logical3A = arith.constant 8 : i32
      %shift_right_logical3A_63 = vector.broadcast %shift_right_logical3A : i32 to vector<16xi32>
      %shift_right_logical3A_64 = arith.shrui %gather3A, %shift_right_logical3A_63 : vector<16xi32>
      %le3A = vector.broadcast %select_n3A_30 : i32 to vector<16xi32>
      %le3A_65 = arith.cmpi sle, %and3A_62, %le3A : vector<16xi32>
      %le3A_66 = vector.broadcast %select_n3A_30 : i32 to vector<16xi32>
      %le3A_67 = arith.cmpi sle, %le3A_66, %shift_right_logical3A_64 : vector<16xi32>
      %and3A_68 = arith.andi %le3A_65, %le3A_67 : vector<16xi1>
      %convert_element_type3A = arith.extui %and3A_68 : vector<16xi1> to vector<16xi32>
      %broadcast_in_dim3A_69 = arith.constant true
      %broadcast_in_dim3A_70 = vector.broadcast %broadcast_in_dim3A_69 : i1 to vector<16xi1>
      %masked_cumsum3A = tpu.scan <sum>, %convert_element_type3A masked %broadcast_in_dim3A_70 : vector<16xi32>, vector<16xi1> -> vector<16xi32>
      %add3A_71 = vector.broadcast %scan3A_56 : i32 to vector<16xi32>
      %add3A_72 = arith.addi %add3A_71, %masked_cumsum3A : vector<16xi32>
      %sub3A_73 = arith.constant 1 : i32
      %sub3A_74 = vector.broadcast %sub3A_73 : i32 to vector<16xi32>
      %sub3A_75 = arith.subi %add3A_72, %sub3A_74 : vector<16xi32>
      %shift_right_logical3A_76 = arith.constant 9 : i32
      %shift_right_logical3A_77 = vector.broadcast %shift_right_logical3A_76 : i32 to vector<16xi32>
      %shift_right_logical3A_78 = arith.shrui %sub3A_75, %shift_right_logical3A_77 : vector<16xi32>
      %and3A_79 = arith.constant 255 : i32
      %and3A_80 = vector.broadcast %and3A_79 : i32 to vector<16xi32>
      %and3A_81 = arith.andi %sub3A_75, %and3A_80 : vector<16xi32>
      %mul3A_82 = arith.constant 9 : i32
      %mul3A_83 = vector.broadcast %mul3A_82 : i32 to vector<16xi32>
      %mul3A_84 = arith.muli %get3A_59, %mul3A_83 : vector<16xi32>
      %add3A_85 = arith.constant 0 : i32
      %add3A_86 = vector.broadcast %add3A_85 : i32 to vector<16xi32>
      %add3A_87 = arith.addi %mul3A_84, %add3A_86 : vector<16xi32>
      %gather3A_88 = tpu.vector_load_idx %arg9[%add3A_87] : memref<36864xf32, #tpu.memory_space<vmem>>[vector<16xi32>], vector<16xf32>,
      %broadcast_in_dim3A_89 = arith.constant 0 : i32
      %broadcast_in_dim3A_90 = vector.broadcast %broadcast_in_dim3A_89 : i32 to vector<16xi32>
      tpu.vector_store_idx %arg11[%shift_right_logical3A_78, %broadcast_in_dim3A_90, %and3A_81], %gather3A_88 masked %and3A_68 : memref<17x9x256xf32, #tpu.memory_space<vmem>>[vector<16xi32>, vector<16xi32>, vector<16xi32>], vector<16xf32>, vector<16xi1>
      %add3A_91 = arith.constant 1 : i32
      %add3A_92 = vector.broadcast %add3A_91 : i32 to vector<16xi32>
      %add3A_93 = arith.addi %mul3A_84, %add3A_92 : vector<16xi32>
      %gather3A_94 = tpu.vector_load_idx %arg9[%add3A_93] : memref<36864xf32, #tpu.memory_space<vmem>>[vector<16xi32>], vector<16xf32>,
      %broadcast_in_dim3A_95 = arith.constant 1 : i32
      %broadcast_in_dim3A_96 = vector.broadcast %broadcast_in_dim3A_95 : i32 to vector<16xi32>
      tpu.vector_store_idx %arg11[%shift_right_logical3A_78, %broadcast_in_dim3A_96, %and3A_81], %gather3A_94 masked %and3A_68 : memref<17x9x256xf32, #tpu.memory_space<vmem>>[vector<16xi32>, vector<16xi32>, vector<16xi32>], vector<16xf32>, vector<16xi1>
      %add3A_97 = arith.constant 2 : i32
      %add3A_98 = vector.broadcast %add3A_97 : i32 to vector<16xi32>
      %add3A_99 = arith.addi %mul3A_84, %add3A_98 : vector<16xi32>
      %gather3A_100 = tpu.vector_load_idx %arg9[%add3A_99] : memref<36864xf32, #tpu.memory_space<vmem>>[vector<16xi32>], vector<16xf32>,
      %mul3A_101 = arith.constant -5.000000e-01 : f32
      %mul3A_102 = vector.broadcast %mul3A_101 : f32 to vector<16xf32>
      %mul3A_103 = arith.mulf %gather3A_100, %mul3A_102 : vector<16xf32>
      %broadcast_in_dim3A_104 = arith.constant 2 : i32
      %broadcast_in_dim3A_105 = vector.broadcast %broadcast_in_dim3A_104 : i32 to vector<16xi32>
      tpu.vector_store_idx %arg11[%shift_right_logical3A_78, %broadcast_in_dim3A_105, %and3A_81], %mul3A_103 masked %and3A_68 : memref<17x9x256xf32, #tpu.memory_space<vmem>>[vector<16xi32>, vector<16xi32>, vector<16xi32>], vector<16xf32>, vector<16xi1>
      %add3A_106 = arith.constant 3 : i32
      %add3A_107 = vector.broadcast %add3A_106 : i32 to vector<16xi32>
      %add3A_108 = arith.addi %mul3A_84, %add3A_107 : vector<16xi32>
      %gather3A_109 = tpu.vector_load_idx %arg9[%add3A_108] : memref<36864xf32, #tpu.memory_space<vmem>>[vector<16xi32>], vector<16xf32>,
      %mul3A_110 = arith.constant -1.000000e+00 : f32
      %mul3A_111 = vector.broadcast %mul3A_110 : f32 to vector<16xf32>
      %mul3A_112 = arith.mulf %gather3A_109, %mul3A_111 : vector<16xf32>
      %broadcast_in_dim3A_113 = arith.constant 3 : i32
      %broadcast_in_dim3A_114 = vector.broadcast %broadcast_in_dim3A_113 : i32 to vector<16xi32>
      tpu.vector_store_idx %arg11[%shift_right_logical3A_78, %broadcast_in_dim3A_114, %and3A_81], %mul3A_112 masked %and3A_68 : memref<17x9x256xf32, #tpu.memory_space<vmem>>[vector<16xi32>, vector<16xi32>, vector<16xi32>], vector<16xf32>, vector<16xi1>
      %add3A_115 = arith.constant 4 : i32
      %add3A_116 = vector.broadcast %add3A_115 : i32 to vector<16xi32>
      %add3A_117 = arith.addi %mul3A_84, %add3A_116 : vector<16xi32>
      %gather3A_118 = tpu.vector_load_idx %arg9[%add3A_117] : memref<36864xf32, #tpu.memory_space<vmem>>[vector<16xi32>], vector<16xf32>,
      %mul3A_119 = arith.constant -5.000000e-01 : f32
      %mul3A_120 = vector.broadcast %mul3A_119 : f32 to vector<16xf32>
      %mul3A_121 = arith.mulf %gather3A_118, %mul3A_120 : vector<16xf32>
      %broadcast_in_dim3A_122 = arith.constant 4 : i32
      %broadcast_in_dim3A_123 = vector.broadcast %broadcast_in_dim3A_122 : i32 to vector<16xi32>
      tpu.vector_store_idx %arg11[%shift_right_logical3A_78, %broadcast_in_dim3A_123, %and3A_81], %mul3A_121 masked %and3A_68 : memref<17x9x256xf32, #tpu.memory_space<vmem>>[vector<16xi32>, vector<16xi32>, vector<16xi32>], vector<16xf32>, vector<16xi1>
      %add3A_124 = arith.constant 5 : i32
      %add3A_125 = vector.broadcast %add3A_124 : i32 to vector<16xi32>
      %add3A_126 = arith.addi %mul3A_84, %add3A_125 : vector<16xi32>
      %gather3A_127 = tpu.vector_load_idx %arg9[%add3A_126] : memref<36864xf32, #tpu.memory_space<vmem>>[vector<16xi32>], vector<16xf32>,
      %broadcast_in_dim3A_128 = arith.constant 5 : i32
      %broadcast_in_dim3A_129 = vector.broadcast %broadcast_in_dim3A_128 : i32 to vector<16xi32>
      tpu.vector_store_idx %arg11[%shift_right_logical3A_78, %broadcast_in_dim3A_129, %and3A_81], %gather3A_127 masked %and3A_68 : memref<17x9x256xf32, #tpu.memory_space<vmem>>[vector<16xi32>, vector<16xi32>, vector<16xi32>], vector<16xf32>, vector<16xi1>
      %add3A_130 = arith.constant 6 : i32
      %add3A_131 = vector.broadcast %add3A_130 : i32 to vector<16xi32>
      %add3A_132 = arith.addi %mul3A_84, %add3A_131 : vector<16xi32>
      %gather3A_133 = tpu.vector_load_idx %arg9[%add3A_132] : memref<36864xf32, #tpu.memory_space<vmem>>[vector<16xi32>], vector<16xf32>,
      %broadcast_in_dim3A_134 = arith.constant 6 : i32
      %broadcast_in_dim3A_135 = vector.broadcast %broadcast_in_dim3A_134 : i32 to vector<16xi32>
      tpu.vector_store_idx %arg11[%shift_right_logical3A_78, %broadcast_in_dim3A_135, %and3A_81], %gather3A_133 masked %and3A_68 : memref<17x9x256xf32, #tpu.memory_space<vmem>>[vector<16xi32>, vector<16xi32>, vector<16xi32>], vector<16xf32>, vector<16xi1>
      %add3A_136 = arith.constant 7 : i32
      %add3A_137 = vector.broadcast %add3A_136 : i32 to vector<16xi32>
      %add3A_138 = arith.addi %mul3A_84, %add3A_137 : vector<16xi32>
      %gather3A_139 = tpu.vector_load_idx %arg9[%add3A_138] : memref<36864xf32, #tpu.memory_space<vmem>>[vector<16xi32>], vector<16xf32>,
      %broadcast_in_dim3A_140 = arith.constant 7 : i32
      %broadcast_in_dim3A_141 = vector.broadcast %broadcast_in_dim3A_140 : i32 to vector<16xi32>
      tpu.vector_store_idx %arg11[%shift_right_logical3A_78, %broadcast_in_dim3A_141, %and3A_81], %gather3A_139 masked %and3A_68 : memref<17x9x256xf32, #tpu.memory_space<vmem>>[vector<16xi32>, vector<16xi32>, vector<16xi32>], vector<16xf32>, vector<16xi1>
      %add3A_142 = arith.constant 8 : i32
      %add3A_143 = vector.broadcast %add3A_142 : i32 to vector<16xi32>
      %add3A_144 = arith.addi %mul3A_84, %add3A_143 : vector<16xi32>
      %gather3A_145 = tpu.vector_load_idx %arg9[%add3A_144] : memref<36864xf32, #tpu.memory_space<vmem>>[vector<16xi32>], vector<16xf32>,
      %broadcast_in_dim3A_146 = arith.constant 8 : i32
      %broadcast_in_dim3A_147 = vector.broadcast %broadcast_in_dim3A_146 : i32 to vector<16xi32>
      tpu.vector_store_idx %arg11[%shift_right_logical3A_78, %broadcast_in_dim3A_147, %and3A_81], %gather3A_145 masked %and3A_68 : memref<17x9x256xf32, #tpu.memory_space<vmem>>[vector<16xi32>, vector<16xi32>, vector<16xi32>], vector<16xf32>, vector<16xi1>
      %reduce_max3A = arith.constant true
      %reduce_max3A_148 = vector.broadcast %reduce_max3A : i1 to vector<16xi1>
      %reduce_max3A_149 = arith.constant -2147483648 : i32
      %reduce_max3A_150 = vector.broadcast %reduce_max3A_149 : i32 to vector<16xi32>
      %reduce_max3A_151 = arith.xori %masked_cumsum3A, %reduce_max3A_150 : vector<16xi32>
      %reduce_max3A_152 = tpu.scan <max>, %reduce_max3A_151 masked %reduce_max3A_148 : vector<16xi32>, vector<16xi1> -> vector<16xi32>
      %reduce_max3A_153 = arith.xori %reduce_max3A_152, %reduce_max3A_150 : vector<16xi32>
      %reduce_max3A_154 = vector.extract %reduce_max3A_153[15] : i32 from vector<16xi32>
      %add3A_155 = arith.addi %scan3A_56, %reduce_max3A_154 : i32
      scf.yield %add3A_155 : i32
    }
    %scan3A_42 = arith.constant 256 : i32
    %add3A_43 = arith.constant 255 : i32
    %add3A_44 = arith.addi %scan3A_41, %add3A_43 : i32
    %not3A = arith.constant 255 : i32
    %not3A_45 = arith.constant -1 : i32
    %not3A_46 = arith.xori %not3A, %not3A_45 : i32
    %and3A_47 = arith.andi %add3A_44, %not3A_46 : i32
    %scan3A_48 = arith.constant 0 : i32
    %scan3A_49 = arith.constant 0 : i32
    %scan3A_50 = arith.constant 16 : i32
    %scan3A_51 = arith.addi %scan3A_49, %scan3A_50 : i32
    %scan3A_52 = arith.constant 1 : i32
    scf.for %scan3A_55 = %scan3A_49 to %scan3A_51 step %scan3A_52  : i32 {
      %mul3A_56 = arith.constant 16 : i32
      %mul3A_57 = arith.muli %scan3A_55, %mul3A_56 : i32
      %add3A_58 = arith.addi %scan3A_41, %mul3A_57 : i32
      %add3A_59 = vector.broadcast %add3A_58 : i32 to vector<16xi32>
      %add3A_60 = arith.addi %add3A_59, %iota3A : vector<16xi32>
      %lt3A_61 = vector.broadcast %and3A_47 : i32 to vector<16xi32>
      %lt3A_62 = arith.cmpi slt, %add3A_60, %lt3A_61 : vector<16xi32>
      %shift_right_logical3A = arith.constant 9 : i32
      %shift_right_logical3A_63 = vector.broadcast %shift_right_logical3A : i32 to vector<16xi32>
      %shift_right_logical3A_64 = arith.shrui %add3A_60, %shift_right_logical3A_63 : vector<16xi32>
      %and3A_65 = arith.constant 255 : i32
      %and3A_66 = vector.broadcast %and3A_65 : i32 to vector<16xi32>
      %and3A_67 = arith.andi %add3A_60, %and3A_66 : vector<16xi32>
      %broadcast_in_dim3A_68 = arith.constant 0 : i32
      %broadcast_in_dim3A_69 = vector.broadcast %broadcast_in_dim3A_68 : i32 to vector<16xi32>
      %broadcast_in_dim3A_70 = arith.constant 1.000000e+09 : f32
      %broadcast_in_dim3A_71 = vector.broadcast %broadcast_in_dim3A_70 : f32 to vector<16xf32>
      tpu.vector_store_idx %arg11[%shift_right_logical3A_64, %broadcast_in_dim3A_69, %and3A_67], %broadcast_in_dim3A_71 masked %lt3A_62 : memref<17x9x256xf32, #tpu.memory_space<vmem>>[vector<16xi32>, vector<16xi32>, vector<16xi32>], vector<16xf32>, vector<16xi1>
      %broadcast_in_dim3A_72 = arith.constant 1 : i32
      %broadcast_in_dim3A_73 = vector.broadcast %broadcast_in_dim3A_72 : i32 to vector<16xi32>
      %broadcast_in_dim3A_74 = arith.constant 1.000000e+09 : f32
      %broadcast_in_dim3A_75 = vector.broadcast %broadcast_in_dim3A_74 : f32 to vector<16xf32>
      tpu.vector_store_idx %arg11[%shift_right_logical3A_64, %broadcast_in_dim3A_73, %and3A_67], %broadcast_in_dim3A_75 masked %lt3A_62 : memref<17x9x256xf32, #tpu.memory_space<vmem>>[vector<16xi32>, vector<16xi32>, vector<16xi32>], vector<16xf32>, vector<16xi1>
      %broadcast_in_dim3A_76 = arith.constant 2 : i32
      %broadcast_in_dim3A_77 = vector.broadcast %broadcast_in_dim3A_76 : i32 to vector<16xi32>
      %broadcast_in_dim3A_78 = arith.constant -5.000000e-01 : f32
      %broadcast_in_dim3A_79 = vector.broadcast %broadcast_in_dim3A_78 : f32 to vector<16xf32>
      tpu.vector_store_idx %arg11[%shift_right_logical3A_64, %broadcast_in_dim3A_77, %and3A_67], %broadcast_in_dim3A_79 masked %lt3A_62 : memref<17x9x256xf32, #tpu.memory_space<vmem>>[vector<16xi32>, vector<16xi32>, vector<16xi32>], vector<16xf32>, vector<16xi1>
      %broadcast_in_dim3A_80 = arith.constant 3 : i32
      %broadcast_in_dim3A_81 = vector.broadcast %broadcast_in_dim3A_80 : i32 to vector<16xi32>
      %broadcast_in_dim3A_82 = arith.constant 0.000000e+00 : f32
      %broadcast_in_dim3A_83 = vector.broadcast %broadcast_in_dim3A_82 : f32 to vector<16xf32>
      tpu.vector_store_idx %arg11[%shift_right_logical3A_64, %broadcast_in_dim3A_81, %and3A_67], %broadcast_in_dim3A_83 masked %lt3A_62 : memref<17x9x256xf32, #tpu.memory_space<vmem>>[vector<16xi32>, vector<16xi32>, vector<16xi32>], vector<16xf32>, vector<16xi1>
      %broadcast_in_dim3A_84 = arith.constant 4 : i32
      %broadcast_in_dim3A_85 = vector.broadcast %broadcast_in_dim3A_84 : i32 to vector<16xi32>
      %broadcast_in_dim3A_86 = arith.constant -5.000000e-01 : f32
      %broadcast_in_dim3A_87 = vector.broadcast %broadcast_in_dim3A_86 : f32 to vector<16xf32>
      tpu.vector_store_idx %arg11[%shift_right_logical3A_64, %broadcast_in_dim3A_85, %and3A_67], %broadcast_in_dim3A_87 masked %lt3A_62 : memref<17x9x256xf32, #tpu.memory_space<vmem>>[vector<16xi32>, vector<16xi32>, vector<16xi32>], vector<16xf32>, vector<16xi1>
      %broadcast_in_dim3A_88 = arith.constant 5 : i32
      %broadcast_in_dim3A_89 = vector.broadcast %broadcast_in_dim3A_88 : i32 to vector<16xi32>
      %broadcast_in_dim3A_90 = arith.constant 0.000000e+00 : f32
      %broadcast_in_dim3A_91 = vector.broadcast %broadcast_in_dim3A_90 : f32 to vector<16xf32>
      tpu.vector_store_idx %arg11[%shift_right_logical3A_64, %broadcast_in_dim3A_89, %and3A_67], %broadcast_in_dim3A_91 masked %lt3A_62 : memref<17x9x256xf32, #tpu.memory_space<vmem>>[vector<16xi32>, vector<16xi32>, vector<16xi32>], vector<16xf32>, vector<16xi1>
      %broadcast_in_dim3A_92 = arith.constant 6 : i32
      %broadcast_in_dim3A_93 = vector.broadcast %broadcast_in_dim3A_92 : i32 to vector<16xi32>
      %broadcast_in_dim3A_94 = arith.constant 0.000000e+00 : f32
      %broadcast_in_dim3A_95 = vector.broadcast %broadcast_in_dim3A_94 : f32 to vector<16xf32>
      tpu.vector_store_idx %arg11[%shift_right_logical3A_64, %broadcast_in_dim3A_93, %and3A_67], %broadcast_in_dim3A_95 masked %lt3A_62 : memref<17x9x256xf32, #tpu.memory_space<vmem>>[vector<16xi32>, vector<16xi32>, vector<16xi32>], vector<16xf32>, vector<16xi1>
      %broadcast_in_dim3A_96 = arith.constant 7 : i32
      %broadcast_in_dim3A_97 = vector.broadcast %broadcast_in_dim3A_96 : i32 to vector<16xi32>
      %broadcast_in_dim3A_98 = arith.constant 0.000000e+00 : f32
      %broadcast_in_dim3A_99 = vector.broadcast %broadcast_in_dim3A_98 : f32 to vector<16xf32>
      tpu.vector_store_idx %arg11[%shift_right_logical3A_64, %broadcast_in_dim3A_97, %and3A_67], %broadcast_in_dim3A_99 masked %lt3A_62 : memref<17x9x256xf32, #tpu.memory_space<vmem>>[vector<16xi32>, vector<16xi32>, vector<16xi32>], vector<16xf32>, vector<16xi1>
      %broadcast_in_dim3A_100 = arith.constant 8 : i32
      %broadcast_in_dim3A_101 = vector.broadcast %broadcast_in_dim3A_100 : i32 to vector<16xi32>
      %broadcast_in_dim3A_102 = arith.constant 0.000000e+00 : f32
      %broadcast_in_dim3A_103 = vector.broadcast %broadcast_in_dim3A_102 : f32 to vector<16xf32>
      tpu.vector_store_idx %arg11[%shift_right_logical3A_64, %broadcast_in_dim3A_101, %and3A_67], %broadcast_in_dim3A_103 masked %lt3A_62 : memref<17x9x256xf32, #tpu.memory_space<vmem>>[vector<16xi32>, vector<16xi32>, vector<16xi32>], vector<16xf32>, vector<16xi1>
    }
    %scan3A_53 = arith.constant 16 : i32
    %broadcast_in_dim3A = vector.broadcast %scan3A_41 : i32 to vector<16xi32>
    %swap3A = arith.constant 0 : index
    %swap3A_54 = tpu.vector_load %arg12[%swap3A] {strides = array<i32>} : memref<16xi32, #tpu.memory_space<vmem>>, vector<16xi32>,
    tpu.vector_store %arg12[%swap3A], %broadcast_in_dim3A {strides = array<i32>} : memref<16xi32, #tpu.memory_space<vmem>>, vector<16xi32>,
    "tpu.region"() ({
      %run_scoped3A = tpu.sem_alloc : memref<!tpu.dma_semaphore, #tpu.memory_space<semaphore_mem>>
      %dma_start3A = arith.constant 0 : i32
      %dma_start3A_55 = arith.constant 0 : i32
      %dma_start3A_56 = arith.constant 0 : i32
      %dma_start3A_57 = tpu.memref_slice %arg5[%select_n3A, %select_n3A_30, %dma_start3A, %dma_start3A_55, %dma_start3A_56] : memref<2x16x17x9x256xf32, #tpu.memory_space<hbm>> -> memref<1x1x17x9x256xf32, #tpu.memory_space<hbm>>
      %dma_start3A_58 = tpu.memref_squeeze %dma_start3A_57 : memref<1x1x17x9x256xf32, #tpu.memory_space<hbm>> -> memref<17x9x256xf32, #tpu.memory_space<hbm>>
      %dma_start3A_59 = arith.constant 0 : i32
      %dma_start3A_60 = arith.constant 0 : i32
      %dma_start3A_61 = arith.constant 0 : i32
      %dma_start3A_62 = tpu.memref_slice %arg5[%select_n3A, %select_n3A_30, %dma_start3A_59, %dma_start3A_60, %dma_start3A_61] : memref<2x16x17x9x256xf32, #tpu.memory_space<hbm>> -> memref<1x1x17x9x256xf32, #tpu.memory_space<hbm>>
      %dma_start3A_63 = tpu.memref_squeeze %dma_start3A_62 : memref<1x1x17x9x256xf32, #tpu.memory_space<hbm>> -> memref<17x9x256xf32, #tpu.memory_space<hbm>>
      tpu.enqueue_dma source(%arg11 : memref<17x9x256xf32, #tpu.memory_space<vmem>>) target(%dma_start3A_63 : memref<17x9x256xf32, #tpu.memory_space<hbm>>) target_semaphore(%run_scoped3A : memref<!tpu.dma_semaphore, #tpu.memory_space<semaphore_mem>>)
      %dma_wait3A = arith.constant 0 : i32
      %dma_wait3A_64 = arith.constant 0 : i32
      %dma_wait3A_65 = arith.constant 0 : i32
      %dma_wait3A_66 = tpu.memref_slice %arg5[%select_n3A, %select_n3A_30, %dma_wait3A, %dma_wait3A_64, %dma_wait3A_65] : memref<2x16x17x9x256xf32, #tpu.memory_space<hbm>> -> memref<1x1x17x9x256xf32, #tpu.memory_space<hbm>>
      %dma_wait3A_67 = tpu.memref_squeeze %dma_wait3A_66 : memref<1x1x17x9x256xf32, #tpu.memory_space<hbm>> -> memref<17x9x256xf32, #tpu.memory_space<hbm>>
      %dma_wait3A_68 = arith.constant 0 : i32
      %dma_wait3A_69 = arith.constant 0 : i32
      %dma_wait3A_70 = arith.constant 0 : i32
      %dma_wait3A_71 = tpu.memref_slice %arg5[%select_n3A, %select_n3A_30, %dma_wait3A_68, %dma_wait3A_69, %dma_wait3A_70] : memref<2x16x17x9x256xf32, #tpu.memory_space<hbm>> -> memref<1x1x17x9x256xf32, #tpu.memory_space<hbm>>
      %dma_wait3A_72 = tpu.memref_squeeze %dma_wait3A_71 : memref<1x1x17x9x256xf32, #tpu.memory_space<hbm>> -> memref<17x9x256xf32, #tpu.memory_space<hbm>>
      tpu.wait_dma2 semaphore(%run_scoped3A : memref<!tpu.dma_semaphore, #tpu.memory_space<semaphore_mem>>) src(%arg11 : memref<17x9x256xf32, #tpu.memory_space<vmem>>) dst(%dma_wait3A_72 : memref<17x9x256xf32, #tpu.memory_space<hbm>>)
      tpu.yield
    }) : () -> ()
    "tpu.region"() ({
      %run_scoped3A = tpu.sem_alloc : memref<!tpu.dma_semaphore, #tpu.memory_space<semaphore_mem>>
      %dma_start3A = arith.constant 0 : i32
      %dma_start3A_55 = tpu.memref_slice %arg6[%select_n3A, %select_n3A_30, %dma_start3A] : memref<2x16x16xi32, #tpu.memory_space<hbm>> -> memref<1x1x16xi32, #tpu.memory_space<hbm>>
      %dma_start3A_56 = tpu.memref_squeeze %dma_start3A_55 : memref<1x1x16xi32, #tpu.memory_space<hbm>> -> memref<16xi32, #tpu.memory_space<hbm>>
      %dma_start3A_57 = arith.constant 0 : i32
      %dma_start3A_58 = tpu.memref_slice %arg6[%select_n3A, %select_n3A_30, %dma_start3A_57] : memref<2x16x16xi32, #tpu.memory_space<hbm>> -> memref<1x1x16xi32, #tpu.memory_space<hbm>>
      %dma_start3A_59 = tpu.memref_squeeze %dma_start3A_58 : memref<1x1x16xi32, #tpu.memory_space<hbm>> -> memref<16xi32, #tpu.memory_space<hbm>>
      tpu.enqueue_dma source(%arg12 : memref<16xi32, #tpu.memory_space<vmem>>) target(%dma_start3A_59 : memref<16xi32, #tpu.memory_space<hbm>>) target_semaphore(%run_scoped3A : memref<!tpu.dma_semaphore, #tpu.memory_space<semaphore_mem>>)
      %dma_wait3A = arith.constant 0 : i32
      %dma_wait3A_60 = tpu.memref_slice %arg6[%select_n3A, %select_n3A_30, %dma_wait3A] : memref<2x16x16xi32, #tpu.memory_space<hbm>> -> memref<1x1x16xi32, #tpu.memory_space<hbm>>
      %dma_wait3A_61 = tpu.memref_squeeze %dma_wait3A_60 : memref<1x1x16xi32, #tpu.memory_space<hbm>> -> memref<16xi32, #tpu.memory_space<hbm>>
      %dma_wait3A_62 = arith.constant 0 : i32
      %dma_wait3A_63 = tpu.memref_slice %arg6[%select_n3A, %select_n3A_30, %dma_wait3A_62] : memref<2x16x16xi32, #tpu.memory_space<hbm>> -> memref<1x1x16xi32, #tpu.memory_space<hbm>>
      %dma_wait3A_64 = tpu.memref_squeeze %dma_wait3A_63 : memref<1x1x16xi32, #tpu.memory_space<hbm>> -> memref<16xi32, #tpu.memory_space<hbm>>
      tpu.wait_dma2 semaphore(%run_scoped3A : memref<!tpu.dma_semaphore, #tpu.memory_space<semaphore_mem>>) src(%arg12 : memref<16xi32, #tpu.memory_space<vmem>>) dst(%dma_wait3A_64 : memref<16xi32, #tpu.memory_space<hbm>>)
      tpu.yield
    }) : () -> ()
    return
  }
}

module attributes {stable_mosaic.version = 14 : i64} {
  func.func @_prepass_kernel(%arg0: i32, %arg1: memref<1x1x4096xf32, #tpu.memory_space<smem>>, %arg2: memref<1x32x128xf32, #tpu.memory_space<vmem>>, %arg3: memref<1x32x128xf32, #tpu.memory_space<vmem>>, %arg4: memref<1x3x32x128xf32, #tpu.memory_space<vmem>>, %arg5: memref<1x32x128xf32, #tpu.memory_space<vmem>>, %arg6: memref<1x32x128xi32, #tpu.memory_space<vmem>>, %arg7: memref<1x32x128xi32, #tpu.memory_space<vmem>>) attributes {dimension_semantics = [#tpu.dimension_semantics<arbitrary>], iteration_bounds = array<i64: 2>, scalar_prefetch = 0 : i64, scratch_operands = 0 : i64, tpu.core_type = #tpu.core_type<tc>, window_params = [{transform_indices = @transform_0, window_bounds = array<i64: 1, 1, 4096>}, {transform_indices = @transform_1, window_bounds = array<i64: 1, 32, 128>}, {transform_indices = @transform_2, window_bounds = array<i64: 1, 32, 128>}, {transform_indices = @transform_3, window_bounds = array<i64: 1, 3, 32, 128>}, {transform_indices = @transform_4, window_bounds = array<i64: 1, 32, 128>}, {transform_indices = @transform_5, window_bounds = array<i64: 1, 32, 128>}, {transform_indices = @transform_6, window_bounds = array<i64: 1, 32, 128>}]} {
    %get3A = arith.constant 0 : index
    %get3A_0 = arith.constant 0 : index
    %get3A_1 = arith.constant 0 : index
    %get3A_2 = vector.load %arg2[%get3A, %get3A_0, %get3A_1] : memref<1x32x128xf32, #tpu.memory_space<vmem>>, vector<1x32x128xf32>
    %get3A_3 = vector.shape_cast %get3A_2 : vector<1x32x128xf32> to vector<32x128xf32>
    %iota3A = tpu.iota {dimensions = array<i32: 0>} : vector<32x128xi32>
    %mul3A = arith.constant 128 : i32
    %mul3A_4 = vector.broadcast %mul3A : i32 to vector<32x128xi32>
    %mul3A_5 = arith.muli %iota3A, %mul3A_4 : vector<32x128xi32>
    %iota3A_6 = tpu.iota {dimensions = array<i32: 1>} : vector<32x128xi32>
    %add3A = arith.addi %mul3A_5, %iota3A_6 : vector<32x128xi32>
    %broadcast_in_dim3A = arith.constant 0 : i32
    %broadcast_in_dim3A_7 = vector.broadcast %broadcast_in_dim3A : i32 to vector<32x128xi32>
    %scan3A = arith.constant 0 : i32
    %scan3A_8 = arith.constant 4096 : i32
    %scan3A_9 = arith.addi %scan3A, %scan3A_8 : i32
    %scan3A_10 = arith.constant 32 : i32
    %scan3A_11 = scf.for %scan3A_99 = %scan3A to %scan3A_9 step %scan3A_10 iter_args(%scan3A_100 = %broadcast_in_dim3A_7) -> (vector<32x128xi32>)  : i32 {
      %get3A_101 = arith.constant 0 : index
      %get3A_102 = arith.constant 0 : index
      %get3A_103 = arith.index_cast %scan3A_99 : i32 to index
      %get3A_104 = memref.load %arg1[%get3A_101, %get3A_102, %get3A_103] : memref<1x1x4096xf32, #tpu.memory_space<smem>>
      %lt3A = vector.broadcast %get3A_104 : f32 to vector<32x128xf32>
      %lt3A_105 = arith.cmpf olt, %lt3A, %get3A_3 : vector<32x128xf32>
      %eq3A = vector.broadcast %get3A_104 : f32 to vector<32x128xf32>
      %eq3A_106 = arith.cmpf oeq, %eq3A, %get3A_3 : vector<32x128xf32>
      %gt3A = vector.broadcast %scan3A_99 : i32 to vector<32x128xi32>
      %gt3A_107 = arith.cmpi sgt, %add3A, %gt3A : vector<32x128xi32>
      %and3A = arith.andi %eq3A_106, %gt3A_107 : vector<32x128xi1>
      %or3A = arith.ori %lt3A_105, %and3A : vector<32x128xi1>
      %convert_element_type3A_108 = arith.extui %or3A : vector<32x128xi1> to vector<32x128xi32>
      %add3A_109 = arith.addi %scan3A_100, %convert_element_type3A_108 : vector<32x128xi32>
      %scan3A_110 = arith.constant 1 : i32
      %scan3A_111 = arith.addi %scan3A_99, %scan3A_110 : i32
      %get3A_112 = arith.constant 0 : index
      %get3A_113 = arith.constant 0 : index
      %get3A_114 = arith.index_cast %scan3A_111 : i32 to index
      %get3A_115 = memref.load %arg1[%get3A_112, %get3A_113, %get3A_114] : memref<1x1x4096xf32, #tpu.memory_space<smem>>
      %lt3A_116 = vector.broadcast %get3A_115 : f32 to vector<32x128xf32>
      %lt3A_117 = arith.cmpf olt, %lt3A_116, %get3A_3 : vector<32x128xf32>
      %eq3A_118 = vector.broadcast %get3A_115 : f32 to vector<32x128xf32>
      %eq3A_119 = arith.cmpf oeq, %eq3A_118, %get3A_3 : vector<32x128xf32>
      %gt3A_120 = vector.broadcast %scan3A_111 : i32 to vector<32x128xi32>
      %gt3A_121 = arith.cmpi sgt, %add3A, %gt3A_120 : vector<32x128xi32>
      %and3A_122 = arith.andi %eq3A_119, %gt3A_121 : vector<32x128xi1>
      %or3A_123 = arith.ori %lt3A_117, %and3A_122 : vector<32x128xi1>
      %convert_element_type3A_124 = arith.extui %or3A_123 : vector<32x128xi1> to vector<32x128xi32>
      %add3A_125 = arith.addi %add3A_109, %convert_element_type3A_124 : vector<32x128xi32>
      %scan3A_126 = arith.constant 2 : i32
      %scan3A_127 = arith.addi %scan3A_99, %scan3A_126 : i32
      %get3A_128 = arith.constant 0 : index
      %get3A_129 = arith.constant 0 : index
      %get3A_130 = arith.index_cast %scan3A_127 : i32 to index
      %get3A_131 = memref.load %arg1[%get3A_128, %get3A_129, %get3A_130] : memref<1x1x4096xf32, #tpu.memory_space<smem>>
      %lt3A_132 = vector.broadcast %get3A_131 : f32 to vector<32x128xf32>
      %lt3A_133 = arith.cmpf olt, %lt3A_132, %get3A_3 : vector<32x128xf32>
      %eq3A_134 = vector.broadcast %get3A_131 : f32 to vector<32x128xf32>
      %eq3A_135 = arith.cmpf oeq, %eq3A_134, %get3A_3 : vector<32x128xf32>
      %gt3A_136 = vector.broadcast %scan3A_127 : i32 to vector<32x128xi32>
      %gt3A_137 = arith.cmpi sgt, %add3A, %gt3A_136 : vector<32x128xi32>
      %and3A_138 = arith.andi %eq3A_135, %gt3A_137 : vector<32x128xi1>
      %or3A_139 = arith.ori %lt3A_133, %and3A_138 : vector<32x128xi1>
      %convert_element_type3A_140 = arith.extui %or3A_139 : vector<32x128xi1> to vector<32x128xi32>
      %add3A_141 = arith.addi %add3A_125, %convert_element_type3A_140 : vector<32x128xi32>
      %scan3A_142 = arith.constant 3 : i32
      %scan3A_143 = arith.addi %scan3A_99, %scan3A_142 : i32
      %get3A_144 = arith.constant 0 : index
      %get3A_145 = arith.constant 0 : index
      %get3A_146 = arith.index_cast %scan3A_143 : i32 to index
      %get3A_147 = memref.load %arg1[%get3A_144, %get3A_145, %get3A_146] : memref<1x1x4096xf32, #tpu.memory_space<smem>>
      %lt3A_148 = vector.broadcast %get3A_147 : f32 to vector<32x128xf32>
      %lt3A_149 = arith.cmpf olt, %lt3A_148, %get3A_3 : vector<32x128xf32>
      %eq3A_150 = vector.broadcast %get3A_147 : f32 to vector<32x128xf32>
      %eq3A_151 = arith.cmpf oeq, %eq3A_150, %get3A_3 : vector<32x128xf32>
      %gt3A_152 = vector.broadcast %scan3A_143 : i32 to vector<32x128xi32>
      %gt3A_153 = arith.cmpi sgt, %add3A, %gt3A_152 : vector<32x128xi32>
      %and3A_154 = arith.andi %eq3A_151, %gt3A_153 : vector<32x128xi1>
      %or3A_155 = arith.ori %lt3A_149, %and3A_154 : vector<32x128xi1>
      %convert_element_type3A_156 = arith.extui %or3A_155 : vector<32x128xi1> to vector<32x128xi32>
      %add3A_157 = arith.addi %add3A_141, %convert_element_type3A_156 : vector<32x128xi32>
      %scan3A_158 = arith.constant 4 : i32
      %scan3A_159 = arith.addi %scan3A_99, %scan3A_158 : i32
      %get3A_160 = arith.constant 0 : index
      %get3A_161 = arith.constant 0 : index
      %get3A_162 = arith.index_cast %scan3A_159 : i32 to index
      %get3A_163 = memref.load %arg1[%get3A_160, %get3A_161, %get3A_162] : memref<1x1x4096xf32, #tpu.memory_space<smem>>
      %lt3A_164 = vector.broadcast %get3A_163 : f32 to vector<32x128xf32>
      %lt3A_165 = arith.cmpf olt, %lt3A_164, %get3A_3 : vector<32x128xf32>
      %eq3A_166 = vector.broadcast %get3A_163 : f32 to vector<32x128xf32>
      %eq3A_167 = arith.cmpf oeq, %eq3A_166, %get3A_3 : vector<32x128xf32>
      %gt3A_168 = vector.broadcast %scan3A_159 : i32 to vector<32x128xi32>
      %gt3A_169 = arith.cmpi sgt, %add3A, %gt3A_168 : vector<32x128xi32>
      %and3A_170 = arith.andi %eq3A_167, %gt3A_169 : vector<32x128xi1>
      %or3A_171 = arith.ori %lt3A_165, %and3A_170 : vector<32x128xi1>
      %convert_element_type3A_172 = arith.extui %or3A_171 : vector<32x128xi1> to vector<32x128xi32>
      %add3A_173 = arith.addi %add3A_157, %convert_element_type3A_172 : vector<32x128xi32>
      %scan3A_174 = arith.constant 5 : i32
      %scan3A_175 = arith.addi %scan3A_99, %scan3A_174 : i32
      %get3A_176 = arith.constant 0 : index
      %get3A_177 = arith.constant 0 : index
      %get3A_178 = arith.index_cast %scan3A_175 : i32 to index
      %get3A_179 = memref.load %arg1[%get3A_176, %get3A_177, %get3A_178] : memref<1x1x4096xf32, #tpu.memory_space<smem>>
      %lt3A_180 = vector.broadcast %get3A_179 : f32 to vector<32x128xf32>
      %lt3A_181 = arith.cmpf olt, %lt3A_180, %get3A_3 : vector<32x128xf32>
      %eq3A_182 = vector.broadcast %get3A_179 : f32 to vector<32x128xf32>
      %eq3A_183 = arith.cmpf oeq, %eq3A_182, %get3A_3 : vector<32x128xf32>
      %gt3A_184 = vector.broadcast %scan3A_175 : i32 to vector<32x128xi32>
      %gt3A_185 = arith.cmpi sgt, %add3A, %gt3A_184 : vector<32x128xi32>
      %and3A_186 = arith.andi %eq3A_183, %gt3A_185 : vector<32x128xi1>
      %or3A_187 = arith.ori %lt3A_181, %and3A_186 : vector<32x128xi1>
      %convert_element_type3A_188 = arith.extui %or3A_187 : vector<32x128xi1> to vector<32x128xi32>
      %add3A_189 = arith.addi %add3A_173, %convert_element_type3A_188 : vector<32x128xi32>
      %scan3A_190 = arith.constant 6 : i32
      %scan3A_191 = arith.addi %scan3A_99, %scan3A_190 : i32
      %get3A_192 = arith.constant 0 : index
      %get3A_193 = arith.constant 0 : index
      %get3A_194 = arith.index_cast %scan3A_191 : i32 to index
      %get3A_195 = memref.load %arg1[%get3A_192, %get3A_193, %get3A_194] : memref<1x1x4096xf32, #tpu.memory_space<smem>>
      %lt3A_196 = vector.broadcast %get3A_195 : f32 to vector<32x128xf32>
      %lt3A_197 = arith.cmpf olt, %lt3A_196, %get3A_3 : vector<32x128xf32>
      %eq3A_198 = vector.broadcast %get3A_195 : f32 to vector<32x128xf32>
      %eq3A_199 = arith.cmpf oeq, %eq3A_198, %get3A_3 : vector<32x128xf32>
      %gt3A_200 = vector.broadcast %scan3A_191 : i32 to vector<32x128xi32>
      %gt3A_201 = arith.cmpi sgt, %add3A, %gt3A_200 : vector<32x128xi32>
      %and3A_202 = arith.andi %eq3A_199, %gt3A_201 : vector<32x128xi1>
      %or3A_203 = arith.ori %lt3A_197, %and3A_202 : vector<32x128xi1>
      %convert_element_type3A_204 = arith.extui %or3A_203 : vector<32x128xi1> to vector<32x128xi32>
      %add3A_205 = arith.addi %add3A_189, %convert_element_type3A_204 : vector<32x128xi32>
      %scan3A_206 = arith.constant 7 : i32
      %scan3A_207 = arith.addi %scan3A_99, %scan3A_206 : i32
      %get3A_208 = arith.constant 0 : index
      %get3A_209 = arith.constant 0 : index
      %get3A_210 = arith.index_cast %scan3A_207 : i32 to index
      %get3A_211 = memref.load %arg1[%get3A_208, %get3A_209, %get3A_210] : memref<1x1x4096xf32, #tpu.memory_space<smem>>
      %lt3A_212 = vector.broadcast %get3A_211 : f32 to vector<32x128xf32>
      %lt3A_213 = arith.cmpf olt, %lt3A_212, %get3A_3 : vector<32x128xf32>
      %eq3A_214 = vector.broadcast %get3A_211 : f32 to vector<32x128xf32>
      %eq3A_215 = arith.cmpf oeq, %eq3A_214, %get3A_3 : vector<32x128xf32>
      %gt3A_216 = vector.broadcast %scan3A_207 : i32 to vector<32x128xi32>
      %gt3A_217 = arith.cmpi sgt, %add3A, %gt3A_216 : vector<32x128xi32>
      %and3A_218 = arith.andi %eq3A_215, %gt3A_217 : vector<32x128xi1>
      %or3A_219 = arith.ori %lt3A_213, %and3A_218 : vector<32x128xi1>
      %convert_element_type3A_220 = arith.extui %or3A_219 : vector<32x128xi1> to vector<32x128xi32>
      %add3A_221 = arith.addi %add3A_205, %convert_element_type3A_220 : vector<32x128xi32>
      %scan3A_222 = arith.constant 8 : i32
      %scan3A_223 = arith.addi %scan3A_99, %scan3A_222 : i32
      %get3A_224 = arith.constant 0 : index
      %get3A_225 = arith.constant 0 : index
      %get3A_226 = arith.index_cast %scan3A_223 : i32 to index
      %get3A_227 = memref.load %arg1[%get3A_224, %get3A_225, %get3A_226] : memref<1x1x4096xf32, #tpu.memory_space<smem>>
      %lt3A_228 = vector.broadcast %get3A_227 : f32 to vector<32x128xf32>
      %lt3A_229 = arith.cmpf olt, %lt3A_228, %get3A_3 : vector<32x128xf32>
      %eq3A_230 = vector.broadcast %get3A_227 : f32 to vector<32x128xf32>
      %eq3A_231 = arith.cmpf oeq, %eq3A_230, %get3A_3 : vector<32x128xf32>
      %gt3A_232 = vector.broadcast %scan3A_223 : i32 to vector<32x128xi32>
      %gt3A_233 = arith.cmpi sgt, %add3A, %gt3A_232 : vector<32x128xi32>
      %and3A_234 = arith.andi %eq3A_231, %gt3A_233 : vector<32x128xi1>
      %or3A_235 = arith.ori %lt3A_229, %and3A_234 : vector<32x128xi1>
      %convert_element_type3A_236 = arith.extui %or3A_235 : vector<32x128xi1> to vector<32x128xi32>
      %add3A_237 = arith.addi %add3A_221, %convert_element_type3A_236 : vector<32x128xi32>
      %scan3A_238 = arith.constant 9 : i32
      %scan3A_239 = arith.addi %scan3A_99, %scan3A_238 : i32
      %get3A_240 = arith.constant 0 : index
      %get3A_241 = arith.constant 0 : index
      %get3A_242 = arith.index_cast %scan3A_239 : i32 to index
      %get3A_243 = memref.load %arg1[%get3A_240, %get3A_241, %get3A_242] : memref<1x1x4096xf32, #tpu.memory_space<smem>>
      %lt3A_244 = vector.broadcast %get3A_243 : f32 to vector<32x128xf32>
      %lt3A_245 = arith.cmpf olt, %lt3A_244, %get3A_3 : vector<32x128xf32>
      %eq3A_246 = vector.broadcast %get3A_243 : f32 to vector<32x128xf32>
      %eq3A_247 = arith.cmpf oeq, %eq3A_246, %get3A_3 : vector<32x128xf32>
      %gt3A_248 = vector.broadcast %scan3A_239 : i32 to vector<32x128xi32>
      %gt3A_249 = arith.cmpi sgt, %add3A, %gt3A_248 : vector<32x128xi32>
      %and3A_250 = arith.andi %eq3A_247, %gt3A_249 : vector<32x128xi1>
      %or3A_251 = arith.ori %lt3A_245, %and3A_250 : vector<32x128xi1>
      %convert_element_type3A_252 = arith.extui %or3A_251 : vector<32x128xi1> to vector<32x128xi32>
      %add3A_253 = arith.addi %add3A_237, %convert_element_type3A_252 : vector<32x128xi32>
      %scan3A_254 = arith.constant 10 : i32
      %scan3A_255 = arith.addi %scan3A_99, %scan3A_254 : i32
      %get3A_256 = arith.constant 0 : index
      %get3A_257 = arith.constant 0 : index
      %get3A_258 = arith.index_cast %scan3A_255 : i32 to index
      %get3A_259 = memref.load %arg1[%get3A_256, %get3A_257, %get3A_258] : memref<1x1x4096xf32, #tpu.memory_space<smem>>
      %lt3A_260 = vector.broadcast %get3A_259 : f32 to vector<32x128xf32>
      %lt3A_261 = arith.cmpf olt, %lt3A_260, %get3A_3 : vector<32x128xf32>
      %eq3A_262 = vector.broadcast %get3A_259 : f32 to vector<32x128xf32>
      %eq3A_263 = arith.cmpf oeq, %eq3A_262, %get3A_3 : vector<32x128xf32>
      %gt3A_264 = vector.broadcast %scan3A_255 : i32 to vector<32x128xi32>
      %gt3A_265 = arith.cmpi sgt, %add3A, %gt3A_264 : vector<32x128xi32>
      %and3A_266 = arith.andi %eq3A_263, %gt3A_265 : vector<32x128xi1>
      %or3A_267 = arith.ori %lt3A_261, %and3A_266 : vector<32x128xi1>
      %convert_element_type3A_268 = arith.extui %or3A_267 : vector<32x128xi1> to vector<32x128xi32>
      %add3A_269 = arith.addi %add3A_253, %convert_element_type3A_268 : vector<32x128xi32>
      %scan3A_270 = arith.constant 11 : i32
      %scan3A_271 = arith.addi %scan3A_99, %scan3A_270 : i32
      %get3A_272 = arith.constant 0 : index
      %get3A_273 = arith.constant 0 : index
      %get3A_274 = arith.index_cast %scan3A_271 : i32 to index
      %get3A_275 = memref.load %arg1[%get3A_272, %get3A_273, %get3A_274] : memref<1x1x4096xf32, #tpu.memory_space<smem>>
      %lt3A_276 = vector.broadcast %get3A_275 : f32 to vector<32x128xf32>
      %lt3A_277 = arith.cmpf olt, %lt3A_276, %get3A_3 : vector<32x128xf32>
      %eq3A_278 = vector.broadcast %get3A_275 : f32 to vector<32x128xf32>
      %eq3A_279 = arith.cmpf oeq, %eq3A_278, %get3A_3 : vector<32x128xf32>
      %gt3A_280 = vector.broadcast %scan3A_271 : i32 to vector<32x128xi32>
      %gt3A_281 = arith.cmpi sgt, %add3A, %gt3A_280 : vector<32x128xi32>
      %and3A_282 = arith.andi %eq3A_279, %gt3A_281 : vector<32x128xi1>
      %or3A_283 = arith.ori %lt3A_277, %and3A_282 : vector<32x128xi1>
      %convert_element_type3A_284 = arith.extui %or3A_283 : vector<32x128xi1> to vector<32x128xi32>
      %add3A_285 = arith.addi %add3A_269, %convert_element_type3A_284 : vector<32x128xi32>
      %scan3A_286 = arith.constant 12 : i32
      %scan3A_287 = arith.addi %scan3A_99, %scan3A_286 : i32
      %get3A_288 = arith.constant 0 : index
      %get3A_289 = arith.constant 0 : index
      %get3A_290 = arith.index_cast %scan3A_287 : i32 to index
      %get3A_291 = memref.load %arg1[%get3A_288, %get3A_289, %get3A_290] : memref<1x1x4096xf32, #tpu.memory_space<smem>>
      %lt3A_292 = vector.broadcast %get3A_291 : f32 to vector<32x128xf32>
      %lt3A_293 = arith.cmpf olt, %lt3A_292, %get3A_3 : vector<32x128xf32>
      %eq3A_294 = vector.broadcast %get3A_291 : f32 to vector<32x128xf32>
      %eq3A_295 = arith.cmpf oeq, %eq3A_294, %get3A_3 : vector<32x128xf32>
      %gt3A_296 = vector.broadcast %scan3A_287 : i32 to vector<32x128xi32>
      %gt3A_297 = arith.cmpi sgt, %add3A, %gt3A_296 : vector<32x128xi32>
      %and3A_298 = arith.andi %eq3A_295, %gt3A_297 : vector<32x128xi1>
      %or3A_299 = arith.ori %lt3A_293, %and3A_298 : vector<32x128xi1>
      %convert_element_type3A_300 = arith.extui %or3A_299 : vector<32x128xi1> to vector<32x128xi32>
      %add3A_301 = arith.addi %add3A_285, %convert_element_type3A_300 : vector<32x128xi32>
      %scan3A_302 = arith.constant 13 : i32
      %scan3A_303 = arith.addi %scan3A_99, %scan3A_302 : i32
      %get3A_304 = arith.constant 0 : index
      %get3A_305 = arith.constant 0 : index
      %get3A_306 = arith.index_cast %scan3A_303 : i32 to index
      %get3A_307 = memref.load %arg1[%get3A_304, %get3A_305, %get3A_306] : memref<1x1x4096xf32, #tpu.memory_space<smem>>
      %lt3A_308 = vector.broadcast %get3A_307 : f32 to vector<32x128xf32>
      %lt3A_309 = arith.cmpf olt, %lt3A_308, %get3A_3 : vector<32x128xf32>
      %eq3A_310 = vector.broadcast %get3A_307 : f32 to vector<32x128xf32>
      %eq3A_311 = arith.cmpf oeq, %eq3A_310, %get3A_3 : vector<32x128xf32>
      %gt3A_312 = vector.broadcast %scan3A_303 : i32 to vector<32x128xi32>
      %gt3A_313 = arith.cmpi sgt, %add3A, %gt3A_312 : vector<32x128xi32>
      %and3A_314 = arith.andi %eq3A_311, %gt3A_313 : vector<32x128xi1>
      %or3A_315 = arith.ori %lt3A_309, %and3A_314 : vector<32x128xi1>
      %convert_element_type3A_316 = arith.extui %or3A_315 : vector<32x128xi1> to vector<32x128xi32>
      %add3A_317 = arith.addi %add3A_301, %convert_element_type3A_316 : vector<32x128xi32>
      %scan3A_318 = arith.constant 14 : i32
      %scan3A_319 = arith.addi %scan3A_99, %scan3A_318 : i32
      %get3A_320 = arith.constant 0 : index
      %get3A_321 = arith.constant 0 : index
      %get3A_322 = arith.index_cast %scan3A_319 : i32 to index
      %get3A_323 = memref.load %arg1[%get3A_320, %get3A_321, %get3A_322] : memref<1x1x4096xf32, #tpu.memory_space<smem>>
      %lt3A_324 = vector.broadcast %get3A_323 : f32 to vector<32x128xf32>
      %lt3A_325 = arith.cmpf olt, %lt3A_324, %get3A_3 : vector<32x128xf32>
      %eq3A_326 = vector.broadcast %get3A_323 : f32 to vector<32x128xf32>
      %eq3A_327 = arith.cmpf oeq, %eq3A_326, %get3A_3 : vector<32x128xf32>
      %gt3A_328 = vector.broadcast %scan3A_319 : i32 to vector<32x128xi32>
      %gt3A_329 = arith.cmpi sgt, %add3A, %gt3A_328 : vector<32x128xi32>
      %and3A_330 = arith.andi %eq3A_327, %gt3A_329 : vector<32x128xi1>
      %or3A_331 = arith.ori %lt3A_325, %and3A_330 : vector<32x128xi1>
      %convert_element_type3A_332 = arith.extui %or3A_331 : vector<32x128xi1> to vector<32x128xi32>
      %add3A_333 = arith.addi %add3A_317, %convert_element_type3A_332 : vector<32x128xi32>
      %scan3A_334 = arith.constant 15 : i32
      %scan3A_335 = arith.addi %scan3A_99, %scan3A_334 : i32
      %get3A_336 = arith.constant 0 : index
      %get3A_337 = arith.constant 0 : index
      %get3A_338 = arith.index_cast %scan3A_335 : i32 to index
      %get3A_339 = memref.load %arg1[%get3A_336, %get3A_337, %get3A_338] : memref<1x1x4096xf32, #tpu.memory_space<smem>>
      %lt3A_340 = vector.broadcast %get3A_339 : f32 to vector<32x128xf32>
      %lt3A_341 = arith.cmpf olt, %lt3A_340, %get3A_3 : vector<32x128xf32>
      %eq3A_342 = vector.broadcast %get3A_339 : f32 to vector<32x128xf32>
      %eq3A_343 = arith.cmpf oeq, %eq3A_342, %get3A_3 : vector<32x128xf32>
      %gt3A_344 = vector.broadcast %scan3A_335 : i32 to vector<32x128xi32>
      %gt3A_345 = arith.cmpi sgt, %add3A, %gt3A_344 : vector<32x128xi32>
      %and3A_346 = arith.andi %eq3A_343, %gt3A_345 : vector<32x128xi1>
      %or3A_347 = arith.ori %lt3A_341, %and3A_346 : vector<32x128xi1>
      %convert_element_type3A_348 = arith.extui %or3A_347 : vector<32x128xi1> to vector<32x128xi32>
      %add3A_349 = arith.addi %add3A_333, %convert_element_type3A_348 : vector<32x128xi32>
      %scan3A_350 = arith.constant 16 : i32
      %scan3A_351 = arith.addi %scan3A_99, %scan3A_350 : i32
      %get3A_352 = arith.constant 0 : index
      %get3A_353 = arith.constant 0 : index
      %get3A_354 = arith.index_cast %scan3A_351 : i32 to index
      %get3A_355 = memref.load %arg1[%get3A_352, %get3A_353, %get3A_354] : memref<1x1x4096xf32, #tpu.memory_space<smem>>
      %lt3A_356 = vector.broadcast %get3A_355 : f32 to vector<32x128xf32>
      %lt3A_357 = arith.cmpf olt, %lt3A_356, %get3A_3 : vector<32x128xf32>
      %eq3A_358 = vector.broadcast %get3A_355 : f32 to vector<32x128xf32>
      %eq3A_359 = arith.cmpf oeq, %eq3A_358, %get3A_3 : vector<32x128xf32>
      %gt3A_360 = vector.broadcast %scan3A_351 : i32 to vector<32x128xi32>
      %gt3A_361 = arith.cmpi sgt, %add3A, %gt3A_360 : vector<32x128xi32>
      %and3A_362 = arith.andi %eq3A_359, %gt3A_361 : vector<32x128xi1>
      %or3A_363 = arith.ori %lt3A_357, %and3A_362 : vector<32x128xi1>
      %convert_element_type3A_364 = arith.extui %or3A_363 : vector<32x128xi1> to vector<32x128xi32>
      %add3A_365 = arith.addi %add3A_349, %convert_element_type3A_364 : vector<32x128xi32>
      %scan3A_366 = arith.constant 17 : i32
      %scan3A_367 = arith.addi %scan3A_99, %scan3A_366 : i32
      %get3A_368 = arith.constant 0 : index
      %get3A_369 = arith.constant 0 : index
      %get3A_370 = arith.index_cast %scan3A_367 : i32 to index
      %get3A_371 = memref.load %arg1[%get3A_368, %get3A_369, %get3A_370] : memref<1x1x4096xf32, #tpu.memory_space<smem>>
      %lt3A_372 = vector.broadcast %get3A_371 : f32 to vector<32x128xf32>
      %lt3A_373 = arith.cmpf olt, %lt3A_372, %get3A_3 : vector<32x128xf32>
      %eq3A_374 = vector.broadcast %get3A_371 : f32 to vector<32x128xf32>
      %eq3A_375 = arith.cmpf oeq, %eq3A_374, %get3A_3 : vector<32x128xf32>
      %gt3A_376 = vector.broadcast %scan3A_367 : i32 to vector<32x128xi32>
      %gt3A_377 = arith.cmpi sgt, %add3A, %gt3A_376 : vector<32x128xi32>
      %and3A_378 = arith.andi %eq3A_375, %gt3A_377 : vector<32x128xi1>
      %or3A_379 = arith.ori %lt3A_373, %and3A_378 : vector<32x128xi1>
      %convert_element_type3A_380 = arith.extui %or3A_379 : vector<32x128xi1> to vector<32x128xi32>
      %add3A_381 = arith.addi %add3A_365, %convert_element_type3A_380 : vector<32x128xi32>
      %scan3A_382 = arith.constant 18 : i32
      %scan3A_383 = arith.addi %scan3A_99, %scan3A_382 : i32
      %get3A_384 = arith.constant 0 : index
      %get3A_385 = arith.constant 0 : index
      %get3A_386 = arith.index_cast %scan3A_383 : i32 to index
      %get3A_387 = memref.load %arg1[%get3A_384, %get3A_385, %get3A_386] : memref<1x1x4096xf32, #tpu.memory_space<smem>>
      %lt3A_388 = vector.broadcast %get3A_387 : f32 to vector<32x128xf32>
      %lt3A_389 = arith.cmpf olt, %lt3A_388, %get3A_3 : vector<32x128xf32>
      %eq3A_390 = vector.broadcast %get3A_387 : f32 to vector<32x128xf32>
      %eq3A_391 = arith.cmpf oeq, %eq3A_390, %get3A_3 : vector<32x128xf32>
      %gt3A_392 = vector.broadcast %scan3A_383 : i32 to vector<32x128xi32>
      %gt3A_393 = arith.cmpi sgt, %add3A, %gt3A_392 : vector<32x128xi32>
      %and3A_394 = arith.andi %eq3A_391, %gt3A_393 : vector<32x128xi1>
      %or3A_395 = arith.ori %lt3A_389, %and3A_394 : vector<32x128xi1>
      %convert_element_type3A_396 = arith.extui %or3A_395 : vector<32x128xi1> to vector<32x128xi32>
      %add3A_397 = arith.addi %add3A_381, %convert_element_type3A_396 : vector<32x128xi32>
      %scan3A_398 = arith.constant 19 : i32
      %scan3A_399 = arith.addi %scan3A_99, %scan3A_398 : i32
      %get3A_400 = arith.constant 0 : index
      %get3A_401 = arith.constant 0 : index
      %get3A_402 = arith.index_cast %scan3A_399 : i32 to index
      %get3A_403 = memref.load %arg1[%get3A_400, %get3A_401, %get3A_402] : memref<1x1x4096xf32, #tpu.memory_space<smem>>
      %lt3A_404 = vector.broadcast %get3A_403 : f32 to vector<32x128xf32>
      %lt3A_405 = arith.cmpf olt, %lt3A_404, %get3A_3 : vector<32x128xf32>
      %eq3A_406 = vector.broadcast %get3A_403 : f32 to vector<32x128xf32>
      %eq3A_407 = arith.cmpf oeq, %eq3A_406, %get3A_3 : vector<32x128xf32>
      %gt3A_408 = vector.broadcast %scan3A_399 : i32 to vector<32x128xi32>
      %gt3A_409 = arith.cmpi sgt, %add3A, %gt3A_408 : vector<32x128xi32>
      %and3A_410 = arith.andi %eq3A_407, %gt3A_409 : vector<32x128xi1>
      %or3A_411 = arith.ori %lt3A_405, %and3A_410 : vector<32x128xi1>
      %convert_element_type3A_412 = arith.extui %or3A_411 : vector<32x128xi1> to vector<32x128xi32>
      %add3A_413 = arith.addi %add3A_397, %convert_element_type3A_412 : vector<32x128xi32>
      %scan3A_414 = arith.constant 20 : i32
      %scan3A_415 = arith.addi %scan3A_99, %scan3A_414 : i32
      %get3A_416 = arith.constant 0 : index
      %get3A_417 = arith.constant 0 : index
      %get3A_418 = arith.index_cast %scan3A_415 : i32 to index
      %get3A_419 = memref.load %arg1[%get3A_416, %get3A_417, %get3A_418] : memref<1x1x4096xf32, #tpu.memory_space<smem>>
      %lt3A_420 = vector.broadcast %get3A_419 : f32 to vector<32x128xf32>
      %lt3A_421 = arith.cmpf olt, %lt3A_420, %get3A_3 : vector<32x128xf32>
      %eq3A_422 = vector.broadcast %get3A_419 : f32 to vector<32x128xf32>
      %eq3A_423 = arith.cmpf oeq, %eq3A_422, %get3A_3 : vector<32x128xf32>
      %gt3A_424 = vector.broadcast %scan3A_415 : i32 to vector<32x128xi32>
      %gt3A_425 = arith.cmpi sgt, %add3A, %gt3A_424 : vector<32x128xi32>
      %and3A_426 = arith.andi %eq3A_423, %gt3A_425 : vector<32x128xi1>
      %or3A_427 = arith.ori %lt3A_421, %and3A_426 : vector<32x128xi1>
      %convert_element_type3A_428 = arith.extui %or3A_427 : vector<32x128xi1> to vector<32x128xi32>
      %add3A_429 = arith.addi %add3A_413, %convert_element_type3A_428 : vector<32x128xi32>
      %scan3A_430 = arith.constant 21 : i32
      %scan3A_431 = arith.addi %scan3A_99, %scan3A_430 : i32
      %get3A_432 = arith.constant 0 : index
      %get3A_433 = arith.constant 0 : index
      %get3A_434 = arith.index_cast %scan3A_431 : i32 to index
      %get3A_435 = memref.load %arg1[%get3A_432, %get3A_433, %get3A_434] : memref<1x1x4096xf32, #tpu.memory_space<smem>>
      %lt3A_436 = vector.broadcast %get3A_435 : f32 to vector<32x128xf32>
      %lt3A_437 = arith.cmpf olt, %lt3A_436, %get3A_3 : vector<32x128xf32>
      %eq3A_438 = vector.broadcast %get3A_435 : f32 to vector<32x128xf32>
      %eq3A_439 = arith.cmpf oeq, %eq3A_438, %get3A_3 : vector<32x128xf32>
      %gt3A_440 = vector.broadcast %scan3A_431 : i32 to vector<32x128xi32>
      %gt3A_441 = arith.cmpi sgt, %add3A, %gt3A_440 : vector<32x128xi32>
      %and3A_442 = arith.andi %eq3A_439, %gt3A_441 : vector<32x128xi1>
      %or3A_443 = arith.ori %lt3A_437, %and3A_442 : vector<32x128xi1>
      %convert_element_type3A_444 = arith.extui %or3A_443 : vector<32x128xi1> to vector<32x128xi32>
      %add3A_445 = arith.addi %add3A_429, %convert_element_type3A_444 : vector<32x128xi32>
      %scan3A_446 = arith.constant 22 : i32
      %scan3A_447 = arith.addi %scan3A_99, %scan3A_446 : i32
      %get3A_448 = arith.constant 0 : index
      %get3A_449 = arith.constant 0 : index
      %get3A_450 = arith.index_cast %scan3A_447 : i32 to index
      %get3A_451 = memref.load %arg1[%get3A_448, %get3A_449, %get3A_450] : memref<1x1x4096xf32, #tpu.memory_space<smem>>
      %lt3A_452 = vector.broadcast %get3A_451 : f32 to vector<32x128xf32>
      %lt3A_453 = arith.cmpf olt, %lt3A_452, %get3A_3 : vector<32x128xf32>
      %eq3A_454 = vector.broadcast %get3A_451 : f32 to vector<32x128xf32>
      %eq3A_455 = arith.cmpf oeq, %eq3A_454, %get3A_3 : vector<32x128xf32>
      %gt3A_456 = vector.broadcast %scan3A_447 : i32 to vector<32x128xi32>
      %gt3A_457 = arith.cmpi sgt, %add3A, %gt3A_456 : vector<32x128xi32>
      %and3A_458 = arith.andi %eq3A_455, %gt3A_457 : vector<32x128xi1>
      %or3A_459 = arith.ori %lt3A_453, %and3A_458 : vector<32x128xi1>
      %convert_element_type3A_460 = arith.extui %or3A_459 : vector<32x128xi1> to vector<32x128xi32>
      %add3A_461 = arith.addi %add3A_445, %convert_element_type3A_460 : vector<32x128xi32>
      %scan3A_462 = arith.constant 23 : i32
      %scan3A_463 = arith.addi %scan3A_99, %scan3A_462 : i32
      %get3A_464 = arith.constant 0 : index
      %get3A_465 = arith.constant 0 : index
      %get3A_466 = arith.index_cast %scan3A_463 : i32 to index
      %get3A_467 = memref.load %arg1[%get3A_464, %get3A_465, %get3A_466] : memref<1x1x4096xf32, #tpu.memory_space<smem>>
      %lt3A_468 = vector.broadcast %get3A_467 : f32 to vector<32x128xf32>
      %lt3A_469 = arith.cmpf olt, %lt3A_468, %get3A_3 : vector<32x128xf32>
      %eq3A_470 = vector.broadcast %get3A_467 : f32 to vector<32x128xf32>
      %eq3A_471 = arith.cmpf oeq, %eq3A_470, %get3A_3 : vector<32x128xf32>
      %gt3A_472 = vector.broadcast %scan3A_463 : i32 to vector<32x128xi32>
      %gt3A_473 = arith.cmpi sgt, %add3A, %gt3A_472 : vector<32x128xi32>
      %and3A_474 = arith.andi %eq3A_471, %gt3A_473 : vector<32x128xi1>
      %or3A_475 = arith.ori %lt3A_469, %and3A_474 : vector<32x128xi1>
      %convert_element_type3A_476 = arith.extui %or3A_475 : vector<32x128xi1> to vector<32x128xi32>
      %add3A_477 = arith.addi %add3A_461, %convert_element_type3A_476 : vector<32x128xi32>
      %scan3A_478 = arith.constant 24 : i32
      %scan3A_479 = arith.addi %scan3A_99, %scan3A_478 : i32
      %get3A_480 = arith.constant 0 : index
      %get3A_481 = arith.constant 0 : index
      %get3A_482 = arith.index_cast %scan3A_479 : i32 to index
      %get3A_483 = memref.load %arg1[%get3A_480, %get3A_481, %get3A_482] : memref<1x1x4096xf32, #tpu.memory_space<smem>>
      %lt3A_484 = vector.broadcast %get3A_483 : f32 to vector<32x128xf32>
      %lt3A_485 = arith.cmpf olt, %lt3A_484, %get3A_3 : vector<32x128xf32>
      %eq3A_486 = vector.broadcast %get3A_483 : f32 to vector<32x128xf32>
      %eq3A_487 = arith.cmpf oeq, %eq3A_486, %get3A_3 : vector<32x128xf32>
      %gt3A_488 = vector.broadcast %scan3A_479 : i32 to vector<32x128xi32>
      %gt3A_489 = arith.cmpi sgt, %add3A, %gt3A_488 : vector<32x128xi32>
      %and3A_490 = arith.andi %eq3A_487, %gt3A_489 : vector<32x128xi1>
      %or3A_491 = arith.ori %lt3A_485, %and3A_490 : vector<32x128xi1>
      %convert_element_type3A_492 = arith.extui %or3A_491 : vector<32x128xi1> to vector<32x128xi32>
      %add3A_493 = arith.addi %add3A_477, %convert_element_type3A_492 : vector<32x128xi32>
      %scan3A_494 = arith.constant 25 : i32
      %scan3A_495 = arith.addi %scan3A_99, %scan3A_494 : i32
      %get3A_496 = arith.constant 0 : index
      %get3A_497 = arith.constant 0 : index
      %get3A_498 = arith.index_cast %scan3A_495 : i32 to index
      %get3A_499 = memref.load %arg1[%get3A_496, %get3A_497, %get3A_498] : memref<1x1x4096xf32, #tpu.memory_space<smem>>
      %lt3A_500 = vector.broadcast %get3A_499 : f32 to vector<32x128xf32>
      %lt3A_501 = arith.cmpf olt, %lt3A_500, %get3A_3 : vector<32x128xf32>
      %eq3A_502 = vector.broadcast %get3A_499 : f32 to vector<32x128xf32>
      %eq3A_503 = arith.cmpf oeq, %eq3A_502, %get3A_3 : vector<32x128xf32>
      %gt3A_504 = vector.broadcast %scan3A_495 : i32 to vector<32x128xi32>
      %gt3A_505 = arith.cmpi sgt, %add3A, %gt3A_504 : vector<32x128xi32>
      %and3A_506 = arith.andi %eq3A_503, %gt3A_505 : vector<32x128xi1>
      %or3A_507 = arith.ori %lt3A_501, %and3A_506 : vector<32x128xi1>
      %convert_element_type3A_508 = arith.extui %or3A_507 : vector<32x128xi1> to vector<32x128xi32>
      %add3A_509 = arith.addi %add3A_493, %convert_element_type3A_508 : vector<32x128xi32>
      %scan3A_510 = arith.constant 26 : i32
      %scan3A_511 = arith.addi %scan3A_99, %scan3A_510 : i32
      %get3A_512 = arith.constant 0 : index
      %get3A_513 = arith.constant 0 : index
      %get3A_514 = arith.index_cast %scan3A_511 : i32 to index
      %get3A_515 = memref.load %arg1[%get3A_512, %get3A_513, %get3A_514] : memref<1x1x4096xf32, #tpu.memory_space<smem>>
      %lt3A_516 = vector.broadcast %get3A_515 : f32 to vector<32x128xf32>
      %lt3A_517 = arith.cmpf olt, %lt3A_516, %get3A_3 : vector<32x128xf32>
      %eq3A_518 = vector.broadcast %get3A_515 : f32 to vector<32x128xf32>
      %eq3A_519 = arith.cmpf oeq, %eq3A_518, %get3A_3 : vector<32x128xf32>
      %gt3A_520 = vector.broadcast %scan3A_511 : i32 to vector<32x128xi32>
      %gt3A_521 = arith.cmpi sgt, %add3A, %gt3A_520 : vector<32x128xi32>
      %and3A_522 = arith.andi %eq3A_519, %gt3A_521 : vector<32x128xi1>
      %or3A_523 = arith.ori %lt3A_517, %and3A_522 : vector<32x128xi1>
      %convert_element_type3A_524 = arith.extui %or3A_523 : vector<32x128xi1> to vector<32x128xi32>
      %add3A_525 = arith.addi %add3A_509, %convert_element_type3A_524 : vector<32x128xi32>
      %scan3A_526 = arith.constant 27 : i32
      %scan3A_527 = arith.addi %scan3A_99, %scan3A_526 : i32
      %get3A_528 = arith.constant 0 : index
      %get3A_529 = arith.constant 0 : index
      %get3A_530 = arith.index_cast %scan3A_527 : i32 to index
      %get3A_531 = memref.load %arg1[%get3A_528, %get3A_529, %get3A_530] : memref<1x1x4096xf32, #tpu.memory_space<smem>>
      %lt3A_532 = vector.broadcast %get3A_531 : f32 to vector<32x128xf32>
      %lt3A_533 = arith.cmpf olt, %lt3A_532, %get3A_3 : vector<32x128xf32>
      %eq3A_534 = vector.broadcast %get3A_531 : f32 to vector<32x128xf32>
      %eq3A_535 = arith.cmpf oeq, %eq3A_534, %get3A_3 : vector<32x128xf32>
      %gt3A_536 = vector.broadcast %scan3A_527 : i32 to vector<32x128xi32>
      %gt3A_537 = arith.cmpi sgt, %add3A, %gt3A_536 : vector<32x128xi32>
      %and3A_538 = arith.andi %eq3A_535, %gt3A_537 : vector<32x128xi1>
      %or3A_539 = arith.ori %lt3A_533, %and3A_538 : vector<32x128xi1>
      %convert_element_type3A_540 = arith.extui %or3A_539 : vector<32x128xi1> to vector<32x128xi32>
      %add3A_541 = arith.addi %add3A_525, %convert_element_type3A_540 : vector<32x128xi32>
      %scan3A_542 = arith.constant 28 : i32
      %scan3A_543 = arith.addi %scan3A_99, %scan3A_542 : i32
      %get3A_544 = arith.constant 0 : index
      %get3A_545 = arith.constant 0 : index
      %get3A_546 = arith.index_cast %scan3A_543 : i32 to index
      %get3A_547 = memref.load %arg1[%get3A_544, %get3A_545, %get3A_546] : memref<1x1x4096xf32, #tpu.memory_space<smem>>
      %lt3A_548 = vector.broadcast %get3A_547 : f32 to vector<32x128xf32>
      %lt3A_549 = arith.cmpf olt, %lt3A_548, %get3A_3 : vector<32x128xf32>
      %eq3A_550 = vector.broadcast %get3A_547 : f32 to vector<32x128xf32>
      %eq3A_551 = arith.cmpf oeq, %eq3A_550, %get3A_3 : vector<32x128xf32>
      %gt3A_552 = vector.broadcast %scan3A_543 : i32 to vector<32x128xi32>
      %gt3A_553 = arith.cmpi sgt, %add3A, %gt3A_552 : vector<32x128xi32>
      %and3A_554 = arith.andi %eq3A_551, %gt3A_553 : vector<32x128xi1>
      %or3A_555 = arith.ori %lt3A_549, %and3A_554 : vector<32x128xi1>
      %convert_element_type3A_556 = arith.extui %or3A_555 : vector<32x128xi1> to vector<32x128xi32>
      %add3A_557 = arith.addi %add3A_541, %convert_element_type3A_556 : vector<32x128xi32>
      %scan3A_558 = arith.constant 29 : i32
      %scan3A_559 = arith.addi %scan3A_99, %scan3A_558 : i32
      %get3A_560 = arith.constant 0 : index
      %get3A_561 = arith.constant 0 : index
      %get3A_562 = arith.index_cast %scan3A_559 : i32 to index
      %get3A_563 = memref.load %arg1[%get3A_560, %get3A_561, %get3A_562] : memref<1x1x4096xf32, #tpu.memory_space<smem>>
      %lt3A_564 = vector.broadcast %get3A_563 : f32 to vector<32x128xf32>
      %lt3A_565 = arith.cmpf olt, %lt3A_564, %get3A_3 : vector<32x128xf32>
      %eq3A_566 = vector.broadcast %get3A_563 : f32 to vector<32x128xf32>
      %eq3A_567 = arith.cmpf oeq, %eq3A_566, %get3A_3 : vector<32x128xf32>
      %gt3A_568 = vector.broadcast %scan3A_559 : i32 to vector<32x128xi32>
      %gt3A_569 = arith.cmpi sgt, %add3A, %gt3A_568 : vector<32x128xi32>
      %and3A_570 = arith.andi %eq3A_567, %gt3A_569 : vector<32x128xi1>
      %or3A_571 = arith.ori %lt3A_565, %and3A_570 : vector<32x128xi1>
      %convert_element_type3A_572 = arith.extui %or3A_571 : vector<32x128xi1> to vector<32x128xi32>
      %add3A_573 = arith.addi %add3A_557, %convert_element_type3A_572 : vector<32x128xi32>
      %scan3A_574 = arith.constant 30 : i32
      %scan3A_575 = arith.addi %scan3A_99, %scan3A_574 : i32
      %get3A_576 = arith.constant 0 : index
      %get3A_577 = arith.constant 0 : index
      %get3A_578 = arith.index_cast %scan3A_575 : i32 to index
      %get3A_579 = memref.load %arg1[%get3A_576, %get3A_577, %get3A_578] : memref<1x1x4096xf32, #tpu.memory_space<smem>>
      %lt3A_580 = vector.broadcast %get3A_579 : f32 to vector<32x128xf32>
      %lt3A_581 = arith.cmpf olt, %lt3A_580, %get3A_3 : vector<32x128xf32>
      %eq3A_582 = vector.broadcast %get3A_579 : f32 to vector<32x128xf32>
      %eq3A_583 = arith.cmpf oeq, %eq3A_582, %get3A_3 : vector<32x128xf32>
      %gt3A_584 = vector.broadcast %scan3A_575 : i32 to vector<32x128xi32>
      %gt3A_585 = arith.cmpi sgt, %add3A, %gt3A_584 : vector<32x128xi32>
      %and3A_586 = arith.andi %eq3A_583, %gt3A_585 : vector<32x128xi1>
      %or3A_587 = arith.ori %lt3A_581, %and3A_586 : vector<32x128xi1>
      %convert_element_type3A_588 = arith.extui %or3A_587 : vector<32x128xi1> to vector<32x128xi32>
      %add3A_589 = arith.addi %add3A_573, %convert_element_type3A_588 : vector<32x128xi32>
      %scan3A_590 = arith.constant 31 : i32
      %scan3A_591 = arith.addi %scan3A_99, %scan3A_590 : i32
      %get3A_592 = arith.constant 0 : index
      %get3A_593 = arith.constant 0 : index
      %get3A_594 = arith.index_cast %scan3A_591 : i32 to index
      %get3A_595 = memref.load %arg1[%get3A_592, %get3A_593, %get3A_594] : memref<1x1x4096xf32, #tpu.memory_space<smem>>
      %lt3A_596 = vector.broadcast %get3A_595 : f32 to vector<32x128xf32>
      %lt3A_597 = arith.cmpf olt, %lt3A_596, %get3A_3 : vector<32x128xf32>
      %eq3A_598 = vector.broadcast %get3A_595 : f32 to vector<32x128xf32>
      %eq3A_599 = arith.cmpf oeq, %eq3A_598, %get3A_3 : vector<32x128xf32>
      %gt3A_600 = vector.broadcast %scan3A_591 : i32 to vector<32x128xi32>
      %gt3A_601 = arith.cmpi sgt, %add3A, %gt3A_600 : vector<32x128xi32>
      %and3A_602 = arith.andi %eq3A_599, %gt3A_601 : vector<32x128xi1>
      %or3A_603 = arith.ori %lt3A_597, %and3A_602 : vector<32x128xi1>
      %convert_element_type3A_604 = arith.extui %or3A_603 : vector<32x128xi1> to vector<32x128xi32>
      %add3A_605 = arith.addi %add3A_589, %convert_element_type3A_604 : vector<32x128xi32>
      scf.yield %add3A_605 : vector<32x128xi32>
    }
    %scan3A_12 = arith.constant 4096 : i32
    %swap3A = arith.constant 0 : index
    %swap3A_13 = arith.constant 0 : index
    %swap3A_14 = arith.constant 0 : index
    %swap3A_15 = vector.load %arg6[%swap3A, %swap3A_13, %swap3A_14] : memref<1x32x128xi32, #tpu.memory_space<vmem>>, vector<1x32x128xi32>
    %swap3A_16 = vector.shape_cast %swap3A_15 : vector<1x32x128xi32> to vector<32x128xi32>
    %swap3A_17 = vector.shape_cast %scan3A_11 : vector<32x128xi32> to vector<1x32x128xi32>
    tpu.vector_store %arg6[%swap3A, %swap3A_13, %swap3A_14], %swap3A_17 {strides = array<i32>} : memref<1x32x128xi32, #tpu.memory_space<vmem>>, vector<1x32x128xi32>,
    %get3A_18 = arith.constant 0 : index
    %get3A_19 = arith.constant 0 : index
    %get3A_20 = arith.constant 0 : index
    %get3A_21 = vector.load %arg3[%get3A_18, %get3A_19, %get3A_20] : memref<1x32x128xf32, #tpu.memory_space<vmem>>, vector<1x32x128xf32>
    %get3A_22 = vector.shape_cast %get3A_21 : vector<1x32x128xf32> to vector<32x128xf32>
    %get3A_23 = arith.constant 0 : index
    %get3A_24 = arith.constant 0 : index
    %get3A_25 = arith.constant 0 : index
    %get3A_26 = arith.constant 0 : index
    %get3A_27 = vector.load %arg4[%get3A_23, %get3A_24, %get3A_25, %get3A_26] : memref<1x3x32x128xf32, #tpu.memory_space<vmem>>, vector<1x1x32x128xf32>
    %get3A_28 = vector.shape_cast %get3A_27 : vector<1x1x32x128xf32> to vector<32x128xf32>
    %get3A_29 = arith.constant 0 : index
    %get3A_30 = arith.constant 1 : index
    %get3A_31 = arith.constant 0 : index
    %get3A_32 = arith.constant 0 : index
    %get3A_33 = vector.load %arg4[%get3A_29, %get3A_30, %get3A_31, %get3A_32] : memref<1x3x32x128xf32, #tpu.memory_space<vmem>>, vector<1x1x32x128xf32>
    %get3A_34 = vector.shape_cast %get3A_33 : vector<1x1x32x128xf32> to vector<32x128xf32>
    %get3A_35 = arith.constant 0 : index
    %get3A_36 = arith.constant 2 : index
    %get3A_37 = arith.constant 0 : index
    %get3A_38 = arith.constant 0 : index
    %get3A_39 = vector.load %arg4[%get3A_35, %get3A_36, %get3A_37, %get3A_38] : memref<1x3x32x128xf32, #tpu.memory_space<vmem>>, vector<1x1x32x128xf32>
    %get3A_40 = vector.shape_cast %get3A_39 : vector<1x1x32x128xf32> to vector<32x128xf32>
    %get3A_41 = arith.constant 0 : index
    %get3A_42 = arith.constant 0 : index
    %get3A_43 = arith.constant 0 : index
    %get3A_44 = vector.load %arg5[%get3A_41, %get3A_42, %get3A_43] : memref<1x32x128xf32, #tpu.memory_space<vmem>>, vector<1x32x128xf32>
    %get3A_45 = vector.shape_cast %get3A_44 : vector<1x32x128xf32> to vector<32x128xf32>
    %log3A = math.log %get3A_45 : vector<32x128xf32>
    %add3A_46 = arith.constant 5.54126358 : f32
    %add3A_47 = vector.broadcast %add3A_46 : f32 to vector<32x128xf32>
    %add3A_48 = arith.addf %log3A, %add3A_47 : vector<32x128xf32>
    %mul3A_49 = arith.mulf %get3A_34, %get3A_34 : vector<32x128xf32>
    %div3A = arith.divf %mul3A_49, %get3A_28 : vector<32x128xf32>
    %sub3A = arith.subf %get3A_40, %div3A : vector<32x128xf32>
    %mul3A_50 = arith.constant 2.000000e+00 : f32
    %mul3A_51 = vector.broadcast %mul3A_50 : f32 to vector<32x128xf32>
    %mul3A_52 = arith.mulf %mul3A_51, %add3A_48 : vector<32x128xf32>
    %div3A_53 = arith.divf %mul3A_52, %sub3A : vector<32x128xf32>
    %max3A = arith.constant 0.000000e+00 : f32
    %max3A_54 = vector.broadcast %max3A : f32 to vector<32x128xf32>
    %max3A_55 = arith.maximumf %div3A_53, %max3A_54 : vector<32x128xf32>
    %sqrt3A = math.sqrt %max3A_55 : vector<32x128xf32>
    %add3A_56 = arith.constant 6.000000e-01 : f32
    %add3A_57 = vector.broadcast %add3A_56 : f32 to vector<32x128xf32>
    %add3A_58 = arith.addf %sqrt3A, %add3A_57 : vector<32x128xf32>
    %sub3A_59 = arith.subf %get3A_22, %add3A_58 : vector<32x128xf32>
    %sub3A_60 = arith.constant 7.500000e+00 : f32
    %sub3A_61 = vector.broadcast %sub3A_60 : f32 to vector<32x128xf32>
    %sub3A_62 = arith.subf %sub3A_59, %sub3A_61 : vector<32x128xf32>
    %div3A_63 = arith.constant 8.000000e+00 : f32
    %div3A_64 = vector.broadcast %div3A_63 : f32 to vector<32x128xf32>
    %div3A_65 = arith.divf %sub3A_62, %div3A_64 : vector<32x128xf32>
    %floor3A = math.floor %div3A_65 : vector<32x128xf32>
    %jit3A = arith.constant 0 : i32
    %jit3A_66 = arith.constant 15 : i32
    %convert_element_type3A = arith.sitofp %jit3A : i32 to f32
    %max3A_67 = vector.broadcast %convert_element_type3A : f32 to vector<32x128xf32>
    %max3A_68 = arith.maximumf %max3A_67, %floor3A : vector<32x128xf32>
    %convert_element_type3A_69 = arith.sitofp %jit3A_66 : i32 to f32
    %min3A = vector.broadcast %convert_element_type3A_69 : f32 to vector<32x128xf32>
    %min3A_70 = arith.minimumf %min3A, %max3A_68 : vector<32x128xf32>
    %add3A_71 = arith.addf %get3A_22, %add3A_58 : vector<32x128xf32>
    %sub3A_72 = arith.constant 5.000000e-01 : f32
    %sub3A_73 = vector.broadcast %sub3A_72 : f32 to vector<32x128xf32>
    %sub3A_74 = arith.subf %add3A_71, %sub3A_73 : vector<32x128xf32>
    %div3A_75 = arith.constant 8.000000e+00 : f32
    %div3A_76 = vector.broadcast %div3A_75 : f32 to vector<32x128xf32>
    %div3A_77 = arith.divf %sub3A_74, %div3A_76 : vector<32x128xf32>
    %floor3A_78 = math.floor %div3A_77 : vector<32x128xf32>
    %jit3A_79 = arith.constant 0 : i32
    %jit3A_80 = arith.constant 15 : i32
    %convert_element_type3A_81 = arith.sitofp %jit3A_79 : i32 to f32
    %max3A_82 = vector.broadcast %convert_element_type3A_81 : f32 to vector<32x128xf32>
    %max3A_83 = arith.maximumf %max3A_82, %floor3A_78 : vector<32x128xf32>
    %convert_element_type3A_84 = arith.sitofp %jit3A_80 : i32 to f32
    %min3A_85 = vector.broadcast %convert_element_type3A_84 : f32 to vector<32x128xf32>
    %min3A_86 = arith.minimumf %min3A_85, %max3A_83 : vector<32x128xf32>
    %convert_element_type3A_87 = arith.fptosi %min3A_70 : vector<32x128xf32> to vector<32x128xi32>
    %convert_element_type3A_88 = arith.fptosi %min3A_86 : vector<32x128xf32> to vector<32x128xi32>
    %mul3A_89 = arith.constant 256 : i32
    %mul3A_90 = vector.broadcast %mul3A_89 : i32 to vector<32x128xi32>
    %mul3A_91 = arith.muli %convert_element_type3A_88, %mul3A_90 : vector<32x128xi32>
    %add3A_92 = arith.addi %convert_element_type3A_87, %mul3A_91 : vector<32x128xi32>
    %swap3A_93 = arith.constant 0 : index
    %swap3A_94 = arith.constant 0 : index
    %swap3A_95 = arith.constant 0 : index
    %swap3A_96 = vector.load %arg7[%swap3A_93, %swap3A_94, %swap3A_95] : memref<1x32x128xi32, #tpu.memory_space<vmem>>, vector<1x32x128xi32>
    %swap3A_97 = vector.shape_cast %swap3A_96 : vector<1x32x128xi32> to vector<32x128xi32>
    %swap3A_98 = vector.shape_cast %add3A_92 : vector<32x128xi32> to vector<1x32x128xi32>
    tpu.vector_store %arg7[%swap3A_93, %swap3A_94, %swap3A_95], %swap3A_98 {strides = array<i32>} : memref<1x32x128xi32, #tpu.memory_space<vmem>>, vector<1x32x128xi32>,
    return
  }
  func.func @transform_0(%arg0: i32) -> (i32, i32, i32) {
    %c0_i32 = arith.constant 0 : i32
    %c0_i32_0 = arith.constant 0 : i32
    %c0_i32_1 = arith.constant 0 : i32
    return %arg0, %c0_i32, %c0_i32_0 : i32, i32, i32
  }
  func.func @transform_1(%arg0: i32) -> (i32, i32, i32) {
    %c0_i32 = arith.constant 0 : i32
    %c0_i32_0 = arith.constant 0 : i32
    %c0_i32_1 = arith.constant 0 : i32
    return %arg0, %c0_i32, %c0_i32_0 : i32, i32, i32
  }
  func.func @transform_2(%arg0: i32) -> (i32, i32, i32) {
    %c0_i32 = arith.constant 0 : i32
    %c0_i32_0 = arith.constant 0 : i32
    %c0_i32_1 = arith.constant 0 : i32
    return %arg0, %c0_i32, %c0_i32_0 : i32, i32, i32
  }
  func.func @transform_3(%arg0: i32) -> (i32, i32, i32, i32) {
    %c0_i32 = arith.constant 0 : i32
    %c0_i32_0 = arith.constant 0 : i32
    %c0_i32_1 = arith.constant 0 : i32
    %c0_i32_2 = arith.constant 0 : i32
    return %arg0, %c0_i32, %c0_i32_0, %c0_i32_1 : i32, i32, i32, i32
  }
  func.func @transform_4(%arg0: i32) -> (i32, i32, i32) {
    %c0_i32 = arith.constant 0 : i32
    %c0_i32_0 = arith.constant 0 : i32
    %c0_i32_1 = arith.constant 0 : i32
    return %arg0, %c0_i32, %c0_i32_0 : i32, i32, i32
  }
  func.func @transform_5(%arg0: i32) -> (i32, i32, i32) {
    %c0_i32 = arith.constant 0 : i32
    %c0_i32_0 = arith.constant 0 : i32
    %c0_i32_1 = arith.constant 0 : i32
    return %arg0, %c0_i32, %c0_i32_0 : i32, i32, i32
  }
  func.func @transform_6(%arg0: i32) -> (i32, i32, i32) {
    %c0_i32 = arith.constant 0 : i32
    %c0_i32_0 = arith.constant 0 : i32
    %c0_i32_1 = arith.constant 0 : i32
    return %arg0, %c0_i32, %c0_i32_0 : i32, i32, i32
  }
}

module attributes {stable_mosaic.version = 14 : i64} {
  func.func @_composite_kernel(%arg0: i32, %arg1: i32, %arg2: i32, %arg3: memref<32xi32, #tpu.memory_space<smem>>, %arg4: memref<1x1x1x9x256xf32, #tpu.memory_space<smem>>, %arg5: memref<1x3x8x128xf32, #tpu.memory_space<vmem>>, %arg6: memref<8x128xf32, #tpu.memory_space<vmem>>, %arg7: memref<8x128xf32, #tpu.memory_space<vmem>>, %arg8: memref<8x128xf32, #tpu.memory_space<vmem>>, %arg9: memref<8x128xf32, #tpu.memory_space<vmem>>) attributes {dimension_semantics = [#tpu.dimension_semantics<arbitrary>, #tpu.dimension_semantics<arbitrary>, #tpu.dimension_semantics<arbitrary>], iteration_bounds = array<i64: 2, 16, 17>, scalar_prefetch = 1 : i64, scratch_operands = 4 : i64, tpu.core_type = #tpu.core_type<tc>, window_params = [{transform_indices = @transform_0, window_bounds = array<i64: 1, 1, 1, 9, 256>}, {transform_indices = @transform_1, window_bounds = array<i64: 1, 3, 8, 128>}]} {
    %iota3A = tpu.iota {dimensions = array<i32: 1>} : vector<8x128xi32>
    %convert_element_type3A = arith.sitofp %iota3A : vector<8x128xi32> to vector<8x128xf32>
    %add3A = arith.constant 5.000000e-01 : f32
    %add3A_0 = vector.broadcast %add3A : f32 to vector<8x128xf32>
    %add3A_1 = arith.addf %convert_element_type3A, %add3A_0 : vector<8x128xf32>
    %iota3A_2 = tpu.iota {dimensions = array<i32: 0>} : vector<8x128xi32>
    %convert_element_type3A_3 = arith.sitofp %iota3A_2 : vector<8x128xi32> to vector<8x128xf32>
    %convert_element_type3A_4 = arith.sitofp %arg1 : i32 to f32
    %mul3A = arith.constant 8.000000e+00 : f32
    %mul3A_5 = arith.mulf %convert_element_type3A_4, %mul3A : f32
    %add3A_6 = arith.constant 5.000000e-01 : f32
    %add3A_7 = arith.addf %mul3A_5, %add3A_6 : f32
    %add3A_8 = vector.broadcast %add3A_7 : f32 to vector<8x128xf32>
    %add3A_9 = arith.addf %convert_element_type3A_3, %add3A_8 : vector<8x128xf32>
    %eq3A = arith.constant 0 : i32
    %eq3A_10 = arith.cmpi eq, %arg2, %eq3A : i32
    %convert_element_type3A_11 = arith.extui %eq3A_10 : i1 to i32
    %cond3A = arith.constant 0 : i32
    %cond3A_12 = arith.cmpi ne, %convert_element_type3A_11, %cond3A : i32
    scf.if %cond3A_12 {
      %broadcast_in_dim3A = arith.constant 1.000000e+00 : f32
      %broadcast_in_dim3A_27 = vector.broadcast %broadcast_in_dim3A : f32 to vector<8x128xf32>
      %swap3A = arith.constant 0 : index
      %swap3A_28 = arith.constant 0 : index
      %swap3A_29 = vector.load %arg6[%swap3A, %swap3A_28] : memref<8x128xf32, #tpu.memory_space<vmem>>, vector<8x128xf32>
      tpu.vector_store %arg6[%swap3A, %swap3A_28], %broadcast_in_dim3A_27 {strides = array<i32>} : memref<8x128xf32, #tpu.memory_space<vmem>>, vector<8x128xf32>,
      %broadcast_in_dim3A_30 = arith.constant 0.000000e+00 : f32
      %broadcast_in_dim3A_31 = vector.broadcast %broadcast_in_dim3A_30 : f32 to vector<8x128xf32>
      %swap3A_32 = arith.constant 0 : index
      %swap3A_33 = arith.constant 0 : index
      %swap3A_34 = vector.load %arg7[%swap3A_32, %swap3A_33] : memref<8x128xf32, #tpu.memory_space<vmem>>, vector<8x128xf32>
      tpu.vector_store %arg7[%swap3A_32, %swap3A_33], %broadcast_in_dim3A_31 {strides = array<i32>} : memref<8x128xf32, #tpu.memory_space<vmem>>, vector<8x128xf32>,
      %broadcast_in_dim3A_35 = arith.constant 0.000000e+00 : f32
      %broadcast_in_dim3A_36 = vector.broadcast %broadcast_in_dim3A_35 : f32 to vector<8x128xf32>
      %swap3A_37 = arith.constant 0 : index
      %swap3A_38 = arith.constant 0 : index
      %swap3A_39 = vector.load %arg8[%swap3A_37, %swap3A_38] : memref<8x128xf32, #tpu.memory_space<vmem>>, vector<8x128xf32>
      tpu.vector_store %arg8[%swap3A_37, %swap3A_38], %broadcast_in_dim3A_36 {strides = array<i32>} : memref<8x128xf32, #tpu.memory_space<vmem>>, vector<8x128xf32>,
      %broadcast_in_dim3A_40 = arith.constant 0.000000e+00 : f32
      %broadcast_in_dim3A_41 = vector.broadcast %broadcast_in_dim3A_40 : f32 to vector<8x128xf32>
      %swap3A_42 = arith.constant 0 : index
      %swap3A_43 = arith.constant 0 : index
      %swap3A_44 = vector.load %arg9[%swap3A_42, %swap3A_43] : memref<8x128xf32, #tpu.memory_space<vmem>>, vector<8x128xf32>
      tpu.vector_store %arg9[%swap3A_42, %swap3A_43], %broadcast_in_dim3A_41 {strides = array<i32>} : memref<8x128xf32, #tpu.memory_space<vmem>>, vector<8x128xf32>,
    } else {
    }
    %mul3A_13 = arith.constant 16 : i32
    %mul3A_14 = arith.muli %arg0, %mul3A_13 : i32
    %add3A_15 = arith.addi %mul3A_14, %arg1 : i32
    %get3A = arith.index_cast %add3A_15 : i32 to index
    %get3A_16 = memref.load %arg3[%get3A] : memref<32xi32, #tpu.memory_space<smem>>
    %mul3A_17 = arith.constant 256 : i32
    %mul3A_18 = arith.muli %arg2, %mul3A_17 : i32
    %lt3A = arith.cmpi slt, %mul3A_18, %get3A_16 : i32
    %convert_element_type3A_19 = arith.extui %lt3A : i1 to i32
    %cond3A_20 = arith.constant 0 : i32
    %cond3A_21 = arith.cmpi ne, %convert_element_type3A_19, %cond3A_20 : i32
    scf.if %cond3A_21 {
      %get3A_27 = arith.constant 0 : index
      %get3A_28 = arith.constant 0 : index
      %get3A_29 = vector.load %arg6[%get3A_27, %get3A_28] : memref<8x128xf32, #tpu.memory_space<vmem>>, vector<8x128xf32>
      %reduce_max3A = vector.shape_cast %get3A_29 : vector<8x128xf32> to vector<1x8x128xf32>
      %reduce_max3A_30 = arith.constant dense<0xFF800000> : vector<1xf32>
      %reduce_max3A_31 = vector.multi_reduction <maximumf>, %reduce_max3A, %reduce_max3A_30 [1, 2] : vector<1x8x128xf32> to vector<1xf32>
      %reduce_max3A_32 = vector.shape_cast %reduce_max3A_31 : vector<1xf32> to vector<1x1x1xf32>
      %reduce_max3A_33 = vector.extract %reduce_max3A_32[0, 0, 0] : f32 from vector<1x1x1xf32>
      %gt3A = arith.constant 1.000000e-03 : f32
      %gt3A_34 = arith.cmpf ogt, %reduce_max3A_33, %gt3A : f32
      %convert_element_type3A_35 = arith.extui %gt3A_34 : i1 to i32
      %cond3A_36 = arith.constant 0 : i32
      %cond3A_37 = arith.cmpi ne, %convert_element_type3A_35, %cond3A_36 : i32
      scf.if %cond3A_37 {
        %mul3A_38 = arith.constant 256 : i32
        %mul3A_39 = arith.muli %arg2, %mul3A_38 : i32
        %sub3A = arith.subi %get3A_16, %mul3A_39 : i32
        %scan3A = arith.constant 0 : i32
        %scan3A_40 = arith.constant 32 : i32
        %scan3A_41 = arith.addi %scan3A, %scan3A_40 : i32
        %scan3A_42 = arith.constant 1 : i32
        scf.for %scan3A_44 = %scan3A to %scan3A_41 step %scan3A_42  : i32 {
          %mul3A_45 = arith.constant 8 : i32
          %mul3A_46 = arith.muli %scan3A_44, %mul3A_45 : i32
          %lt3A_47 = arith.cmpi slt, %mul3A_46, %sub3A : i32
          %convert_element_type3A_48 = arith.extui %lt3A_47 : i1 to i32
          %cond3A_49 = arith.constant 0 : i32
          %cond3A_50 = arith.cmpi ne, %convert_element_type3A_48, %cond3A_49 : i32
          scf.if %cond3A_50 {
            %get3A_51 = arith.constant 0 : index
            %get3A_52 = arith.constant 0 : index
            %get3A_53 = vector.load %arg6[%get3A_51, %get3A_52] : memref<8x128xf32, #tpu.memory_space<vmem>>, vector<8x128xf32>
            %get3A_54 = arith.constant 0 : index
            %get3A_55 = arith.constant 0 : index
            %get3A_56 = vector.load %arg7[%get3A_54, %get3A_55] : memref<8x128xf32, #tpu.memory_space<vmem>>, vector<8x128xf32>
            %get3A_57 = arith.constant 0 : index
            %get3A_58 = arith.constant 0 : index
            %get3A_59 = vector.load %arg8[%get3A_57, %get3A_58] : memref<8x128xf32, #tpu.memory_space<vmem>>, vector<8x128xf32>
            %get3A_60 = arith.constant 0 : index
            %get3A_61 = arith.constant 0 : index
            %get3A_62 = vector.load %arg9[%get3A_60, %get3A_61] : memref<8x128xf32, #tpu.memory_space<vmem>>, vector<8x128xf32>
            %mul3A_63 = arith.constant 8 : i32
            %mul3A_64 = arith.muli %scan3A_44, %mul3A_63 : i32
            %add3A_65 = arith.constant 0 : i32
            %add3A_66 = arith.addi %mul3A_64, %add3A_65 : i32
            %get3A_67 = arith.constant 0 : index
            %get3A_68 = arith.constant 0 : index
            %get3A_69 = arith.constant 0 : index
            %get3A_70 = arith.constant 0 : index
            %get3A_71 = arith.index_cast %add3A_66 : i32 to index
            %get3A_72 = memref.load %arg4[%get3A_67, %get3A_68, %get3A_69, %get3A_70, %get3A_71] : memref<1x1x1x9x256xf32, #tpu.memory_space<smem>>
            %get3A_73 = arith.constant 0 : index
            %get3A_74 = arith.constant 0 : index
            %get3A_75 = arith.constant 0 : index
            %get3A_76 = arith.constant 1 : index
            %get3A_77 = arith.index_cast %add3A_66 : i32 to index
            %get3A_78 = memref.load %arg4[%get3A_73, %get3A_74, %get3A_75, %get3A_76, %get3A_77] : memref<1x1x1x9x256xf32, #tpu.memory_space<smem>>
            %get3A_79 = arith.constant 0 : index
            %get3A_80 = arith.constant 0 : index
            %get3A_81 = arith.constant 0 : index
            %get3A_82 = arith.constant 2 : index
            %get3A_83 = arith.index_cast %add3A_66 : i32 to index
            %get3A_84 = memref.load %arg4[%get3A_79, %get3A_80, %get3A_81, %get3A_82, %get3A_83] : memref<1x1x1x9x256xf32, #tpu.memory_space<smem>>
            %get3A_85 = arith.constant 0 : index
            %get3A_86 = arith.constant 0 : index
            %get3A_87 = arith.constant 0 : index
            %get3A_88 = arith.constant 3 : index
            %get3A_89 = arith.index_cast %add3A_66 : i32 to index
            %get3A_90 = memref.load %arg4[%get3A_85, %get3A_86, %get3A_87, %get3A_88, %get3A_89] : memref<1x1x1x9x256xf32, #tpu.memory_space<smem>>
            %get3A_91 = arith.constant 0 : index
            %get3A_92 = arith.constant 0 : index
            %get3A_93 = arith.constant 0 : index
            %get3A_94 = arith.constant 4 : index
            %get3A_95 = arith.index_cast %add3A_66 : i32 to index
            %get3A_96 = memref.load %arg4[%get3A_91, %get3A_92, %get3A_93, %get3A_94, %get3A_95] : memref<1x1x1x9x256xf32, #tpu.memory_space<smem>>
            %get3A_97 = arith.constant 0 : index
            %get3A_98 = arith.constant 0 : index
            %get3A_99 = arith.constant 0 : index
            %get3A_100 = arith.constant 5 : index
            %get3A_101 = arith.index_cast %add3A_66 : i32 to index
            %get3A_102 = memref.load %arg4[%get3A_97, %get3A_98, %get3A_99, %get3A_100, %get3A_101] : memref<1x1x1x9x256xf32, #tpu.memory_space<smem>>
            %get3A_103 = arith.constant 0 : index
            %get3A_104 = arith.constant 0 : index
            %get3A_105 = arith.constant 0 : index
            %get3A_106 = arith.constant 6 : index
            %get3A_107 = arith.index_cast %add3A_66 : i32 to index
            %get3A_108 = memref.load %arg4[%get3A_103, %get3A_104, %get3A_105, %get3A_106, %get3A_107] : memref<1x1x1x9x256xf32, #tpu.memory_space<smem>>
            %get3A_109 = arith.constant 0 : index
            %get3A_110 = arith.constant 0 : index
            %get3A_111 = arith.constant 0 : index
            %get3A_112 = arith.constant 7 : index
            %get3A_113 = arith.index_cast %add3A_66 : i32 to index
            %get3A_114 = memref.load %arg4[%get3A_109, %get3A_110, %get3A_111, %get3A_112, %get3A_113] : memref<1x1x1x9x256xf32, #tpu.memory_space<smem>>
            %get3A_115 = arith.constant 0 : index
            %get3A_116 = arith.constant 0 : index
            %get3A_117 = arith.constant 0 : index
            %get3A_118 = arith.constant 8 : index
            %get3A_119 = arith.index_cast %add3A_66 : i32 to index
            %get3A_120 = memref.load %arg4[%get3A_115, %get3A_116, %get3A_117, %get3A_118, %get3A_119] : memref<1x1x1x9x256xf32, #tpu.memory_space<smem>>
            %sub3A_121 = vector.broadcast %get3A_72 : f32 to vector<8x128xf32>
            %sub3A_122 = arith.subf %add3A_1, %sub3A_121 : vector<8x128xf32>
            %sub3A_123 = vector.broadcast %get3A_78 : f32 to vector<8x128xf32>
            %sub3A_124 = arith.subf %add3A_9, %sub3A_123 : vector<8x128xf32>
            %mul3A_125 = vector.broadcast %get3A_84 : f32 to vector<8x128xf32>
            %mul3A_126 = arith.mulf %mul3A_125, %sub3A_122 : vector<8x128xf32>
            %mul3A_127 = vector.broadcast %get3A_90 : f32 to vector<8x128xf32>
            %mul3A_128 = arith.mulf %mul3A_127, %sub3A_124 : vector<8x128xf32>
            %add3A_129 = arith.addf %mul3A_126, %mul3A_128 : vector<8x128xf32>
            %mul3A_130 = arith.mulf %sub3A_122, %add3A_129 : vector<8x128xf32>
            %mul3A_131 = arith.mulf %sub3A_124, %sub3A_124 : vector<8x128xf32>
            %mul3A_132 = vector.broadcast %get3A_96 : f32 to vector<8x128xf32>
            %mul3A_133 = arith.mulf %mul3A_132, %mul3A_131 : vector<8x128xf32>
            %add3A_134 = arith.addf %mul3A_130, %mul3A_133 : vector<8x128xf32>
            %exp3A = math.exp %add3A_134 : vector<8x128xf32>
            %mul3A_135 = vector.broadcast %get3A_120 : f32 to vector<8x128xf32>
            %mul3A_136 = arith.mulf %mul3A_135, %exp3A : vector<8x128xf32>
            %gt3A_137 = arith.constant 0.00392156886 : f32
            %gt3A_138 = vector.broadcast %gt3A_137 : f32 to vector<8x128xf32>
            %gt3A_139 = arith.cmpf ogt, %mul3A_136, %gt3A_138 : vector<8x128xf32>
            %jit3A = arith.constant 0.000000e+00 : f32
            %broadcast_in_dim3A = vector.broadcast %jit3A : f32 to vector<8x128xf32>
            %select_n3A = arith.select %gt3A_139, %mul3A_136, %broadcast_in_dim3A : vector<8x128xi1>, vector<8x128xf32>
            %mul3A_140 = arith.mulf %select_n3A, %get3A_53 : vector<8x128xf32>
            %mul3A_141 = vector.broadcast %get3A_102 : f32 to vector<8x128xf32>
            %mul3A_142 = arith.mulf %mul3A_140, %mul3A_141 : vector<8x128xf32>
            %add3A_143 = arith.addf %get3A_56, %mul3A_142 : vector<8x128xf32>
            %mul3A_144 = vector.broadcast %get3A_108 : f32 to vector<8x128xf32>
            %mul3A_145 = arith.mulf %mul3A_140, %mul3A_144 : vector<8x128xf32>
            %add3A_146 = arith.addf %get3A_59, %mul3A_145 : vector<8x128xf32>
            %mul3A_147 = vector.broadcast %get3A_114 : f32 to vector<8x128xf32>
            %mul3A_148 = arith.mulf %mul3A_140, %mul3A_147 : vector<8x128xf32>
            %add3A_149 = arith.addf %get3A_62, %mul3A_148 : vector<8x128xf32>
            %sub3A_150 = arith.subf %get3A_53, %mul3A_140 : vector<8x128xf32>
            %mul3A_151 = arith.constant 8 : i32
            %mul3A_152 = arith.muli %scan3A_44, %mul3A_151 : i32
            %add3A_153 = arith.constant 1 : i32
            %add3A_154 = arith.addi %mul3A_152, %add3A_153 : i32
            %get3A_155 = arith.constant 0 : index
            %get3A_156 = arith.constant 0 : index
            %get3A_157 = arith.constant 0 : index
            %get3A_158 = arith.constant 0 : index
            %get3A_159 = arith.index_cast %add3A_154 : i32 to index
            %get3A_160 = memref.load %arg4[%get3A_155, %get3A_156, %get3A_157, %get3A_158, %get3A_159] : memref<1x1x1x9x256xf32, #tpu.memory_space<smem>>
            %get3A_161 = arith.constant 0 : index
            %get3A_162 = arith.constant 0 : index
            %get3A_163 = arith.constant 0 : index
            %get3A_164 = arith.constant 1 : index
            %get3A_165 = arith.index_cast %add3A_154 : i32 to index
            %get3A_166 = memref.load %arg4[%get3A_161, %get3A_162, %get3A_163, %get3A_164, %get3A_165] : memref<1x1x1x9x256xf32, #tpu.memory_space<smem>>
            %get3A_167 = arith.constant 0 : index
            %get3A_168 = arith.constant 0 : index
            %get3A_169 = arith.constant 0 : index
            %get3A_170 = arith.constant 2 : index
            %get3A_171 = arith.index_cast %add3A_154 : i32 to index
            %get3A_172 = memref.load %arg4[%get3A_167, %get3A_168, %get3A_169, %get3A_170, %get3A_171] : memref<1x1x1x9x256xf32, #tpu.memory_space<smem>>
            %get3A_173 = arith.constant 0 : index
            %get3A_174 = arith.constant 0 : index
            %get3A_175 = arith.constant 0 : index
            %get3A_176 = arith.constant 3 : index
            %get3A_177 = arith.index_cast %add3A_154 : i32 to index
            %get3A_178 = memref.load %arg4[%get3A_173, %get3A_174, %get3A_175, %get3A_176, %get3A_177] : memref<1x1x1x9x256xf32, #tpu.memory_space<smem>>
            %get3A_179 = arith.constant 0 : index
            %get3A_180 = arith.constant 0 : index
            %get3A_181 = arith.constant 0 : index
            %get3A_182 = arith.constant 4 : index
            %get3A_183 = arith.index_cast %add3A_154 : i32 to index
            %get3A_184 = memref.load %arg4[%get3A_179, %get3A_180, %get3A_181, %get3A_182, %get3A_183] : memref<1x1x1x9x256xf32, #tpu.memory_space<smem>>
            %get3A_185 = arith.constant 0 : index
            %get3A_186 = arith.constant 0 : index
            %get3A_187 = arith.constant 0 : index
            %get3A_188 = arith.constant 5 : index
            %get3A_189 = arith.index_cast %add3A_154 : i32 to index
            %get3A_190 = memref.load %arg4[%get3A_185, %get3A_186, %get3A_187, %get3A_188, %get3A_189] : memref<1x1x1x9x256xf32, #tpu.memory_space<smem>>
            %get3A_191 = arith.constant 0 : index
            %get3A_192 = arith.constant 0 : index
            %get3A_193 = arith.constant 0 : index
            %get3A_194 = arith.constant 6 : index
            %get3A_195 = arith.index_cast %add3A_154 : i32 to index
            %get3A_196 = memref.load %arg4[%get3A_191, %get3A_192, %get3A_193, %get3A_194, %get3A_195] : memref<1x1x1x9x256xf32, #tpu.memory_space<smem>>
            %get3A_197 = arith.constant 0 : index
            %get3A_198 = arith.constant 0 : index
            %get3A_199 = arith.constant 0 : index
            %get3A_200 = arith.constant 7 : index
            %get3A_201 = arith.index_cast %add3A_154 : i32 to index
            %get3A_202 = memref.load %arg4[%get3A_197, %get3A_198, %get3A_199, %get3A_200, %get3A_201] : memref<1x1x1x9x256xf32, #tpu.memory_space<smem>>
            %get3A_203 = arith.constant 0 : index
            %get3A_204 = arith.constant 0 : index
            %get3A_205 = arith.constant 0 : index
            %get3A_206 = arith.constant 8 : index
            %get3A_207 = arith.index_cast %add3A_154 : i32 to index
            %get3A_208 = memref.load %arg4[%get3A_203, %get3A_204, %get3A_205, %get3A_206, %get3A_207] : memref<1x1x1x9x256xf32, #tpu.memory_space<smem>>
            %sub3A_209 = vector.broadcast %get3A_160 : f32 to vector<8x128xf32>
            %sub3A_210 = arith.subf %add3A_1, %sub3A_209 : vector<8x128xf32>
            %sub3A_211 = vector.broadcast %get3A_166 : f32 to vector<8x128xf32>
            %sub3A_212 = arith.subf %add3A_9, %sub3A_211 : vector<8x128xf32>
            %mul3A_213 = vector.broadcast %get3A_172 : f32 to vector<8x128xf32>
            %mul3A_214 = arith.mulf %mul3A_213, %sub3A_210 : vector<8x128xf32>
            %mul3A_215 = vector.broadcast %get3A_178 : f32 to vector<8x128xf32>
            %mul3A_216 = arith.mulf %mul3A_215, %sub3A_212 : vector<8x128xf32>
            %add3A_217 = arith.addf %mul3A_214, %mul3A_216 : vector<8x128xf32>
            %mul3A_218 = arith.mulf %sub3A_210, %add3A_217 : vector<8x128xf32>
            %mul3A_219 = arith.mulf %sub3A_212, %sub3A_212 : vector<8x128xf32>
            %mul3A_220 = vector.broadcast %get3A_184 : f32 to vector<8x128xf32>
            %mul3A_221 = arith.mulf %mul3A_220, %mul3A_219 : vector<8x128xf32>
            %add3A_222 = arith.addf %mul3A_218, %mul3A_221 : vector<8x128xf32>
            %exp3A_223 = math.exp %add3A_222 : vector<8x128xf32>
            %mul3A_224 = vector.broadcast %get3A_208 : f32 to vector<8x128xf32>
            %mul3A_225 = arith.mulf %mul3A_224, %exp3A_223 : vector<8x128xf32>
            %gt3A_226 = arith.constant 0.00392156886 : f32
            %gt3A_227 = vector.broadcast %gt3A_226 : f32 to vector<8x128xf32>
            %gt3A_228 = arith.cmpf ogt, %mul3A_225, %gt3A_227 : vector<8x128xf32>
            %jit3A_229 = arith.constant 0.000000e+00 : f32
            %broadcast_in_dim3A_230 = vector.broadcast %jit3A_229 : f32 to vector<8x128xf32>
            %select_n3A_231 = arith.select %gt3A_228, %mul3A_225, %broadcast_in_dim3A_230 : vector<8x128xi1>, vector<8x128xf32>
            %mul3A_232 = arith.mulf %select_n3A_231, %sub3A_150 : vector<8x128xf32>
            %mul3A_233 = vector.broadcast %get3A_190 : f32 to vector<8x128xf32>
            %mul3A_234 = arith.mulf %mul3A_232, %mul3A_233 : vector<8x128xf32>
            %add3A_235 = arith.addf %add3A_143, %mul3A_234 : vector<8x128xf32>
            %mul3A_236 = vector.broadcast %get3A_196 : f32 to vector<8x128xf32>
            %mul3A_237 = arith.mulf %mul3A_232, %mul3A_236 : vector<8x128xf32>
            %add3A_238 = arith.addf %add3A_146, %mul3A_237 : vector<8x128xf32>
            %mul3A_239 = vector.broadcast %get3A_202 : f32 to vector<8x128xf32>
            %mul3A_240 = arith.mulf %mul3A_232, %mul3A_239 : vector<8x128xf32>
            %add3A_241 = arith.addf %add3A_149, %mul3A_240 : vector<8x128xf32>
            %sub3A_242 = arith.subf %sub3A_150, %mul3A_232 : vector<8x128xf32>
            %mul3A_243 = arith.constant 8 : i32
            %mul3A_244 = arith.muli %scan3A_44, %mul3A_243 : i32
            %add3A_245 = arith.constant 2 : i32
            %add3A_246 = arith.addi %mul3A_244, %add3A_245 : i32
            %get3A_247 = arith.constant 0 : index
            %get3A_248 = arith.constant 0 : index
            %get3A_249 = arith.constant 0 : index
            %get3A_250 = arith.constant 0 : index
            %get3A_251 = arith.index_cast %add3A_246 : i32 to index
            %get3A_252 = memref.load %arg4[%get3A_247, %get3A_248, %get3A_249, %get3A_250, %get3A_251] : memref<1x1x1x9x256xf32, #tpu.memory_space<smem>>
            %get3A_253 = arith.constant 0 : index
            %get3A_254 = arith.constant 0 : index
            %get3A_255 = arith.constant 0 : index
            %get3A_256 = arith.constant 1 : index
            %get3A_257 = arith.index_cast %add3A_246 : i32 to index
            %get3A_258 = memref.load %arg4[%get3A_253, %get3A_254, %get3A_255, %get3A_256, %get3A_257] : memref<1x1x1x9x256xf32, #tpu.memory_space<smem>>
            %get3A_259 = arith.constant 0 : index
            %get3A_260 = arith.constant 0 : index
            %get3A_261 = arith.constant 0 : index
            %get3A_262 = arith.constant 2 : index
            %get3A_263 = arith.index_cast %add3A_246 : i32 to index
            %get3A_264 = memref.load %arg4[%get3A_259, %get3A_260, %get3A_261, %get3A_262, %get3A_263] : memref<1x1x1x9x256xf32, #tpu.memory_space<smem>>
            %get3A_265 = arith.constant 0 : index
            %get3A_266 = arith.constant 0 : index
            %get3A_267 = arith.constant 0 : index
            %get3A_268 = arith.constant 3 : index
            %get3A_269 = arith.index_cast %add3A_246 : i32 to index
            %get3A_270 = memref.load %arg4[%get3A_265, %get3A_266, %get3A_267, %get3A_268, %get3A_269] : memref<1x1x1x9x256xf32, #tpu.memory_space<smem>>
            %get3A_271 = arith.constant 0 : index
            %get3A_272 = arith.constant 0 : index
            %get3A_273 = arith.constant 0 : index
            %get3A_274 = arith.constant 4 : index
            %get3A_275 = arith.index_cast %add3A_246 : i32 to index
            %get3A_276 = memref.load %arg4[%get3A_271, %get3A_272, %get3A_273, %get3A_274, %get3A_275] : memref<1x1x1x9x256xf32, #tpu.memory_space<smem>>
            %get3A_277 = arith.constant 0 : index
            %get3A_278 = arith.constant 0 : index
            %get3A_279 = arith.constant 0 : index
            %get3A_280 = arith.constant 5 : index
            %get3A_281 = arith.index_cast %add3A_246 : i32 to index
            %get3A_282 = memref.load %arg4[%get3A_277, %get3A_278, %get3A_279, %get3A_280, %get3A_281] : memref<1x1x1x9x256xf32, #tpu.memory_space<smem>>
            %get3A_283 = arith.constant 0 : index
            %get3A_284 = arith.constant 0 : index
            %get3A_285 = arith.constant 0 : index
            %get3A_286 = arith.constant 6 : index
            %get3A_287 = arith.index_cast %add3A_246 : i32 to index
            %get3A_288 = memref.load %arg4[%get3A_283, %get3A_284, %get3A_285, %get3A_286, %get3A_287] : memref<1x1x1x9x256xf32, #tpu.memory_space<smem>>
            %get3A_289 = arith.constant 0 : index
            %get3A_290 = arith.constant 0 : index
            %get3A_291 = arith.constant 0 : index
            %get3A_292 = arith.constant 7 : index
            %get3A_293 = arith.index_cast %add3A_246 : i32 to index
            %get3A_294 = memref.load %arg4[%get3A_289, %get3A_290, %get3A_291, %get3A_292, %get3A_293] : memref<1x1x1x9x256xf32, #tpu.memory_space<smem>>
            %get3A_295 = arith.constant 0 : index
            %get3A_296 = arith.constant 0 : index
            %get3A_297 = arith.constant 0 : index
            %get3A_298 = arith.constant 8 : index
            %get3A_299 = arith.index_cast %add3A_246 : i32 to index
            %get3A_300 = memref.load %arg4[%get3A_295, %get3A_296, %get3A_297, %get3A_298, %get3A_299] : memref<1x1x1x9x256xf32, #tpu.memory_space<smem>>
            %sub3A_301 = vector.broadcast %get3A_252 : f32 to vector<8x128xf32>
            %sub3A_302 = arith.subf %add3A_1, %sub3A_301 : vector<8x128xf32>
            %sub3A_303 = vector.broadcast %get3A_258 : f32 to vector<8x128xf32>
            %sub3A_304 = arith.subf %add3A_9, %sub3A_303 : vector<8x128xf32>
            %mul3A_305 = vector.broadcast %get3A_264 : f32 to vector<8x128xf32>
            %mul3A_306 = arith.mulf %mul3A_305, %sub3A_302 : vector<8x128xf32>
            %mul3A_307 = vector.broadcast %get3A_270 : f32 to vector<8x128xf32>
            %mul3A_308 = arith.mulf %mul3A_307, %sub3A_304 : vector<8x128xf32>
            %add3A_309 = arith.addf %mul3A_306, %mul3A_308 : vector<8x128xf32>
            %mul3A_310 = arith.mulf %sub3A_302, %add3A_309 : vector<8x128xf32>
            %mul3A_311 = arith.mulf %sub3A_304, %sub3A_304 : vector<8x128xf32>
            %mul3A_312 = vector.broadcast %get3A_276 : f32 to vector<8x128xf32>
            %mul3A_313 = arith.mulf %mul3A_312, %mul3A_311 : vector<8x128xf32>
            %add3A_314 = arith.addf %mul3A_310, %mul3A_313 : vector<8x128xf32>
            %exp3A_315 = math.exp %add3A_314 : vector<8x128xf32>
            %mul3A_316 = vector.broadcast %get3A_300 : f32 to vector<8x128xf32>
            %mul3A_317 = arith.mulf %mul3A_316, %exp3A_315 : vector<8x128xf32>
            %gt3A_318 = arith.constant 0.00392156886 : f32
            %gt3A_319 = vector.broadcast %gt3A_318 : f32 to vector<8x128xf32>
            %gt3A_320 = arith.cmpf ogt, %mul3A_317, %gt3A_319 : vector<8x128xf32>
            %jit3A_321 = arith.constant 0.000000e+00 : f32
            %broadcast_in_dim3A_322 = vector.broadcast %jit3A_321 : f32 to vector<8x128xf32>
            %select_n3A_323 = arith.select %gt3A_320, %mul3A_317, %broadcast_in_dim3A_322 : vector<8x128xi1>, vector<8x128xf32>
            %mul3A_324 = arith.mulf %select_n3A_323, %sub3A_242 : vector<8x128xf32>
            %mul3A_325 = vector.broadcast %get3A_282 : f32 to vector<8x128xf32>
            %mul3A_326 = arith.mulf %mul3A_324, %mul3A_325 : vector<8x128xf32>
            %add3A_327 = arith.addf %add3A_235, %mul3A_326 : vector<8x128xf32>
            %mul3A_328 = vector.broadcast %get3A_288 : f32 to vector<8x128xf32>
            %mul3A_329 = arith.mulf %mul3A_324, %mul3A_328 : vector<8x128xf32>
            %add3A_330 = arith.addf %add3A_238, %mul3A_329 : vector<8x128xf32>
            %mul3A_331 = vector.broadcast %get3A_294 : f32 to vector<8x128xf32>
            %mul3A_332 = arith.mulf %mul3A_324, %mul3A_331 : vector<8x128xf32>
            %add3A_333 = arith.addf %add3A_241, %mul3A_332 : vector<8x128xf32>
            %sub3A_334 = arith.subf %sub3A_242, %mul3A_324 : vector<8x128xf32>
            %mul3A_335 = arith.constant 8 : i32
            %mul3A_336 = arith.muli %scan3A_44, %mul3A_335 : i32
            %add3A_337 = arith.constant 3 : i32
            %add3A_338 = arith.addi %mul3A_336, %add3A_337 : i32
            %get3A_339 = arith.constant 0 : index
            %get3A_340 = arith.constant 0 : index
            %get3A_341 = arith.constant 0 : index
            %get3A_342 = arith.constant 0 : index
            %get3A_343 = arith.index_cast %add3A_338 : i32 to index
            %get3A_344 = memref.load %arg4[%get3A_339, %get3A_340, %get3A_341, %get3A_342, %get3A_343] : memref<1x1x1x9x256xf32, #tpu.memory_space<smem>>
            %get3A_345 = arith.constant 0 : index
            %get3A_346 = arith.constant 0 : index
            %get3A_347 = arith.constant 0 : index
            %get3A_348 = arith.constant 1 : index
            %get3A_349 = arith.index_cast %add3A_338 : i32 to index
            %get3A_350 = memref.load %arg4[%get3A_345, %get3A_346, %get3A_347, %get3A_348, %get3A_349] : memref<1x1x1x9x256xf32, #tpu.memory_space<smem>>
            %get3A_351 = arith.constant 0 : index
            %get3A_352 = arith.constant 0 : index
            %get3A_353 = arith.constant 0 : index
            %get3A_354 = arith.constant 2 : index
            %get3A_355 = arith.index_cast %add3A_338 : i32 to index
            %get3A_356 = memref.load %arg4[%get3A_351, %get3A_352, %get3A_353, %get3A_354, %get3A_355] : memref<1x1x1x9x256xf32, #tpu.memory_space<smem>>
            %get3A_357 = arith.constant 0 : index
            %get3A_358 = arith.constant 0 : index
            %get3A_359 = arith.constant 0 : index
            %get3A_360 = arith.constant 3 : index
            %get3A_361 = arith.index_cast %add3A_338 : i32 to index
            %get3A_362 = memref.load %arg4[%get3A_357, %get3A_358, %get3A_359, %get3A_360, %get3A_361] : memref<1x1x1x9x256xf32, #tpu.memory_space<smem>>
            %get3A_363 = arith.constant 0 : index
            %get3A_364 = arith.constant 0 : index
            %get3A_365 = arith.constant 0 : index
            %get3A_366 = arith.constant 4 : index
            %get3A_367 = arith.index_cast %add3A_338 : i32 to index
            %get3A_368 = memref.load %arg4[%get3A_363, %get3A_364, %get3A_365, %get3A_366, %get3A_367] : memref<1x1x1x9x256xf32, #tpu.memory_space<smem>>
            %get3A_369 = arith.constant 0 : index
            %get3A_370 = arith.constant 0 : index
            %get3A_371 = arith.constant 0 : index
            %get3A_372 = arith.constant 5 : index
            %get3A_373 = arith.index_cast %add3A_338 : i32 to index
            %get3A_374 = memref.load %arg4[%get3A_369, %get3A_370, %get3A_371, %get3A_372, %get3A_373] : memref<1x1x1x9x256xf32, #tpu.memory_space<smem>>
            %get3A_375 = arith.constant 0 : index
            %get3A_376 = arith.constant 0 : index
            %get3A_377 = arith.constant 0 : index
            %get3A_378 = arith.constant 6 : index
            %get3A_379 = arith.index_cast %add3A_338 : i32 to index
            %get3A_380 = memref.load %arg4[%get3A_375, %get3A_376, %get3A_377, %get3A_378, %get3A_379] : memref<1x1x1x9x256xf32, #tpu.memory_space<smem>>
            %get3A_381 = arith.constant 0 : index
            %get3A_382 = arith.constant 0 : index
            %get3A_383 = arith.constant 0 : index
            %get3A_384 = arith.constant 7 : index
            %get3A_385 = arith.index_cast %add3A_338 : i32 to index
            %get3A_386 = memref.load %arg4[%get3A_381, %get3A_382, %get3A_383, %get3A_384, %get3A_385] : memref<1x1x1x9x256xf32, #tpu.memory_space<smem>>
            %get3A_387 = arith.constant 0 : index
            %get3A_388 = arith.constant 0 : index
            %get3A_389 = arith.constant 0 : index
            %get3A_390 = arith.constant 8 : index
            %get3A_391 = arith.index_cast %add3A_338 : i32 to index
            %get3A_392 = memref.load %arg4[%get3A_387, %get3A_388, %get3A_389, %get3A_390, %get3A_391] : memref<1x1x1x9x256xf32, #tpu.memory_space<smem>>
            %sub3A_393 = vector.broadcast %get3A_344 : f32 to vector<8x128xf32>
            %sub3A_394 = arith.subf %add3A_1, %sub3A_393 : vector<8x128xf32>
            %sub3A_395 = vector.broadcast %get3A_350 : f32 to vector<8x128xf32>
            %sub3A_396 = arith.subf %add3A_9, %sub3A_395 : vector<8x128xf32>
            %mul3A_397 = vector.broadcast %get3A_356 : f32 to vector<8x128xf32>
            %mul3A_398 = arith.mulf %mul3A_397, %sub3A_394 : vector<8x128xf32>
            %mul3A_399 = vector.broadcast %get3A_362 : f32 to vector<8x128xf32>
            %mul3A_400 = arith.mulf %mul3A_399, %sub3A_396 : vector<8x128xf32>
            %add3A_401 = arith.addf %mul3A_398, %mul3A_400 : vector<8x128xf32>
            %mul3A_402 = arith.mulf %sub3A_394, %add3A_401 : vector<8x128xf32>
            %mul3A_403 = arith.mulf %sub3A_396, %sub3A_396 : vector<8x128xf32>
            %mul3A_404 = vector.broadcast %get3A_368 : f32 to vector<8x128xf32>
            %mul3A_405 = arith.mulf %mul3A_404, %mul3A_403 : vector<8x128xf32>
            %add3A_406 = arith.addf %mul3A_402, %mul3A_405 : vector<8x128xf32>
            %exp3A_407 = math.exp %add3A_406 : vector<8x128xf32>
            %mul3A_408 = vector.broadcast %get3A_392 : f32 to vector<8x128xf32>
            %mul3A_409 = arith.mulf %mul3A_408, %exp3A_407 : vector<8x128xf32>
            %gt3A_410 = arith.constant 0.00392156886 : f32
            %gt3A_411 = vector.broadcast %gt3A_410 : f32 to vector<8x128xf32>
            %gt3A_412 = arith.cmpf ogt, %mul3A_409, %gt3A_411 : vector<8x128xf32>
            %jit3A_413 = arith.constant 0.000000e+00 : f32
            %broadcast_in_dim3A_414 = vector.broadcast %jit3A_413 : f32 to vector<8x128xf32>
            %select_n3A_415 = arith.select %gt3A_412, %mul3A_409, %broadcast_in_dim3A_414 : vector<8x128xi1>, vector<8x128xf32>
            %mul3A_416 = arith.mulf %select_n3A_415, %sub3A_334 : vector<8x128xf32>
            %mul3A_417 = vector.broadcast %get3A_374 : f32 to vector<8x128xf32>
            %mul3A_418 = arith.mulf %mul3A_416, %mul3A_417 : vector<8x128xf32>
            %add3A_419 = arith.addf %add3A_327, %mul3A_418 : vector<8x128xf32>
            %mul3A_420 = vector.broadcast %get3A_380 : f32 to vector<8x128xf32>
            %mul3A_421 = arith.mulf %mul3A_416, %mul3A_420 : vector<8x128xf32>
            %add3A_422 = arith.addf %add3A_330, %mul3A_421 : vector<8x128xf32>
            %mul3A_423 = vector.broadcast %get3A_386 : f32 to vector<8x128xf32>
            %mul3A_424 = arith.mulf %mul3A_416, %mul3A_423 : vector<8x128xf32>
            %add3A_425 = arith.addf %add3A_333, %mul3A_424 : vector<8x128xf32>
            %sub3A_426 = arith.subf %sub3A_334, %mul3A_416 : vector<8x128xf32>
            %mul3A_427 = arith.constant 8 : i32
            %mul3A_428 = arith.muli %scan3A_44, %mul3A_427 : i32
            %add3A_429 = arith.constant 4 : i32
            %add3A_430 = arith.addi %mul3A_428, %add3A_429 : i32
            %get3A_431 = arith.constant 0 : index
            %get3A_432 = arith.constant 0 : index
            %get3A_433 = arith.constant 0 : index
            %get3A_434 = arith.constant 0 : index
            %get3A_435 = arith.index_cast %add3A_430 : i32 to index
            %get3A_436 = memref.load %arg4[%get3A_431, %get3A_432, %get3A_433, %get3A_434, %get3A_435] : memref<1x1x1x9x256xf32, #tpu.memory_space<smem>>
            %get3A_437 = arith.constant 0 : index
            %get3A_438 = arith.constant 0 : index
            %get3A_439 = arith.constant 0 : index
            %get3A_440 = arith.constant 1 : index
            %get3A_441 = arith.index_cast %add3A_430 : i32 to index
            %get3A_442 = memref.load %arg4[%get3A_437, %get3A_438, %get3A_439, %get3A_440, %get3A_441] : memref<1x1x1x9x256xf32, #tpu.memory_space<smem>>
            %get3A_443 = arith.constant 0 : index
            %get3A_444 = arith.constant 0 : index
            %get3A_445 = arith.constant 0 : index
            %get3A_446 = arith.constant 2 : index
            %get3A_447 = arith.index_cast %add3A_430 : i32 to index
            %get3A_448 = memref.load %arg4[%get3A_443, %get3A_444, %get3A_445, %get3A_446, %get3A_447] : memref<1x1x1x9x256xf32, #tpu.memory_space<smem>>
            %get3A_449 = arith.constant 0 : index
            %get3A_450 = arith.constant 0 : index
            %get3A_451 = arith.constant 0 : index
            %get3A_452 = arith.constant 3 : index
            %get3A_453 = arith.index_cast %add3A_430 : i32 to index
            %get3A_454 = memref.load %arg4[%get3A_449, %get3A_450, %get3A_451, %get3A_452, %get3A_453] : memref<1x1x1x9x256xf32, #tpu.memory_space<smem>>
            %get3A_455 = arith.constant 0 : index
            %get3A_456 = arith.constant 0 : index
            %get3A_457 = arith.constant 0 : index
            %get3A_458 = arith.constant 4 : index
            %get3A_459 = arith.index_cast %add3A_430 : i32 to index
            %get3A_460 = memref.load %arg4[%get3A_455, %get3A_456, %get3A_457, %get3A_458, %get3A_459] : memref<1x1x1x9x256xf32, #tpu.memory_space<smem>>
            %get3A_461 = arith.constant 0 : index
            %get3A_462 = arith.constant 0 : index
            %get3A_463 = arith.constant 0 : index
            %get3A_464 = arith.constant 5 : index
            %get3A_465 = arith.index_cast %add3A_430 : i32 to index
            %get3A_466 = memref.load %arg4[%get3A_461, %get3A_462, %get3A_463, %get3A_464, %get3A_465] : memref<1x1x1x9x256xf32, #tpu.memory_space<smem>>
            %get3A_467 = arith.constant 0 : index
            %get3A_468 = arith.constant 0 : index
            %get3A_469 = arith.constant 0 : index
            %get3A_470 = arith.constant 6 : index
            %get3A_471 = arith.index_cast %add3A_430 : i32 to index
            %get3A_472 = memref.load %arg4[%get3A_467, %get3A_468, %get3A_469, %get3A_470, %get3A_471] : memref<1x1x1x9x256xf32, #tpu.memory_space<smem>>
            %get3A_473 = arith.constant 0 : index
            %get3A_474 = arith.constant 0 : index
            %get3A_475 = arith.constant 0 : index
            %get3A_476 = arith.constant 7 : index
            %get3A_477 = arith.index_cast %add3A_430 : i32 to index
            %get3A_478 = memref.load %arg4[%get3A_473, %get3A_474, %get3A_475, %get3A_476, %get3A_477] : memref<1x1x1x9x256xf32, #tpu.memory_space<smem>>
            %get3A_479 = arith.constant 0 : index
            %get3A_480 = arith.constant 0 : index
            %get3A_481 = arith.constant 0 : index
            %get3A_482 = arith.constant 8 : index
            %get3A_483 = arith.index_cast %add3A_430 : i32 to index
            %get3A_484 = memref.load %arg4[%get3A_479, %get3A_480, %get3A_481, %get3A_482, %get3A_483] : memref<1x1x1x9x256xf32, #tpu.memory_space<smem>>
            %sub3A_485 = vector.broadcast %get3A_436 : f32 to vector<8x128xf32>
            %sub3A_486 = arith.subf %add3A_1, %sub3A_485 : vector<8x128xf32>
            %sub3A_487 = vector.broadcast %get3A_442 : f32 to vector<8x128xf32>
            %sub3A_488 = arith.subf %add3A_9, %sub3A_487 : vector<8x128xf32>
            %mul3A_489 = vector.broadcast %get3A_448 : f32 to vector<8x128xf32>
            %mul3A_490 = arith.mulf %mul3A_489, %sub3A_486 : vector<8x128xf32>
            %mul3A_491 = vector.broadcast %get3A_454 : f32 to vector<8x128xf32>
            %mul3A_492 = arith.mulf %mul3A_491, %sub3A_488 : vector<8x128xf32>
            %add3A_493 = arith.addf %mul3A_490, %mul3A_492 : vector<8x128xf32>
            %mul3A_494 = arith.mulf %sub3A_486, %add3A_493 : vector<8x128xf32>
            %mul3A_495 = arith.mulf %sub3A_488, %sub3A_488 : vector<8x128xf32>
            %mul3A_496 = vector.broadcast %get3A_460 : f32 to vector<8x128xf32>
            %mul3A_497 = arith.mulf %mul3A_496, %mul3A_495 : vector<8x128xf32>
            %add3A_498 = arith.addf %mul3A_494, %mul3A_497 : vector<8x128xf32>
            %exp3A_499 = math.exp %add3A_498 : vector<8x128xf32>
            %mul3A_500 = vector.broadcast %get3A_484 : f32 to vector<8x128xf32>
            %mul3A_501 = arith.mulf %mul3A_500, %exp3A_499 : vector<8x128xf32>
            %gt3A_502 = arith.constant 0.00392156886 : f32
            %gt3A_503 = vector.broadcast %gt3A_502 : f32 to vector<8x128xf32>
            %gt3A_504 = arith.cmpf ogt, %mul3A_501, %gt3A_503 : vector<8x128xf32>
            %jit3A_505 = arith.constant 0.000000e+00 : f32
            %broadcast_in_dim3A_506 = vector.broadcast %jit3A_505 : f32 to vector<8x128xf32>
            %select_n3A_507 = arith.select %gt3A_504, %mul3A_501, %broadcast_in_dim3A_506 : vector<8x128xi1>, vector<8x128xf32>
            %mul3A_508 = arith.mulf %select_n3A_507, %sub3A_426 : vector<8x128xf32>
            %mul3A_509 = vector.broadcast %get3A_466 : f32 to vector<8x128xf32>
            %mul3A_510 = arith.mulf %mul3A_508, %mul3A_509 : vector<8x128xf32>
            %add3A_511 = arith.addf %add3A_419, %mul3A_510 : vector<8x128xf32>
            %mul3A_512 = vector.broadcast %get3A_472 : f32 to vector<8x128xf32>
            %mul3A_513 = arith.mulf %mul3A_508, %mul3A_512 : vector<8x128xf32>
            %add3A_514 = arith.addf %add3A_422, %mul3A_513 : vector<8x128xf32>
            %mul3A_515 = vector.broadcast %get3A_478 : f32 to vector<8x128xf32>
            %mul3A_516 = arith.mulf %mul3A_508, %mul3A_515 : vector<8x128xf32>
            %add3A_517 = arith.addf %add3A_425, %mul3A_516 : vector<8x128xf32>
            %sub3A_518 = arith.subf %sub3A_426, %mul3A_508 : vector<8x128xf32>
            %mul3A_519 = arith.constant 8 : i32
            %mul3A_520 = arith.muli %scan3A_44, %mul3A_519 : i32
            %add3A_521 = arith.constant 5 : i32
            %add3A_522 = arith.addi %mul3A_520, %add3A_521 : i32
            %get3A_523 = arith.constant 0 : index
            %get3A_524 = arith.constant 0 : index
            %get3A_525 = arith.constant 0 : index
            %get3A_526 = arith.constant 0 : index
            %get3A_527 = arith.index_cast %add3A_522 : i32 to index
            %get3A_528 = memref.load %arg4[%get3A_523, %get3A_524, %get3A_525, %get3A_526, %get3A_527] : memref<1x1x1x9x256xf32, #tpu.memory_space<smem>>
            %get3A_529 = arith.constant 0 : index
            %get3A_530 = arith.constant 0 : index
            %get3A_531 = arith.constant 0 : index
            %get3A_532 = arith.constant 1 : index
            %get3A_533 = arith.index_cast %add3A_522 : i32 to index
            %get3A_534 = memref.load %arg4[%get3A_529, %get3A_530, %get3A_531, %get3A_532, %get3A_533] : memref<1x1x1x9x256xf32, #tpu.memory_space<smem>>
            %get3A_535 = arith.constant 0 : index
            %get3A_536 = arith.constant 0 : index
            %get3A_537 = arith.constant 0 : index
            %get3A_538 = arith.constant 2 : index
            %get3A_539 = arith.index_cast %add3A_522 : i32 to index
            %get3A_540 = memref.load %arg4[%get3A_535, %get3A_536, %get3A_537, %get3A_538, %get3A_539] : memref<1x1x1x9x256xf32, #tpu.memory_space<smem>>
            %get3A_541 = arith.constant 0 : index
            %get3A_542 = arith.constant 0 : index
            %get3A_543 = arith.constant 0 : index
            %get3A_544 = arith.constant 3 : index
            %get3A_545 = arith.index_cast %add3A_522 : i32 to index
            %get3A_546 = memref.load %arg4[%get3A_541, %get3A_542, %get3A_543, %get3A_544, %get3A_545] : memref<1x1x1x9x256xf32, #tpu.memory_space<smem>>
            %get3A_547 = arith.constant 0 : index
            %get3A_548 = arith.constant 0 : index
            %get3A_549 = arith.constant 0 : index
            %get3A_550 = arith.constant 4 : index
            %get3A_551 = arith.index_cast %add3A_522 : i32 to index
            %get3A_552 = memref.load %arg4[%get3A_547, %get3A_548, %get3A_549, %get3A_550, %get3A_551] : memref<1x1x1x9x256xf32, #tpu.memory_space<smem>>
            %get3A_553 = arith.constant 0 : index
            %get3A_554 = arith.constant 0 : index
            %get3A_555 = arith.constant 0 : index
            %get3A_556 = arith.constant 5 : index
            %get3A_557 = arith.index_cast %add3A_522 : i32 to index
            %get3A_558 = memref.load %arg4[%get3A_553, %get3A_554, %get3A_555, %get3A_556, %get3A_557] : memref<1x1x1x9x256xf32, #tpu.memory_space<smem>>
            %get3A_559 = arith.constant 0 : index
            %get3A_560 = arith.constant 0 : index
            %get3A_561 = arith.constant 0 : index
            %get3A_562 = arith.constant 6 : index
            %get3A_563 = arith.index_cast %add3A_522 : i32 to index
            %get3A_564 = memref.load %arg4[%get3A_559, %get3A_560, %get3A_561, %get3A_562, %get3A_563] : memref<1x1x1x9x256xf32, #tpu.memory_space<smem>>
            %get3A_565 = arith.constant 0 : index
            %get3A_566 = arith.constant 0 : index
            %get3A_567 = arith.constant 0 : index
            %get3A_568 = arith.constant 7 : index
            %get3A_569 = arith.index_cast %add3A_522 : i32 to index
            %get3A_570 = memref.load %arg4[%get3A_565, %get3A_566, %get3A_567, %get3A_568, %get3A_569] : memref<1x1x1x9x256xf32, #tpu.memory_space<smem>>
            %get3A_571 = arith.constant 0 : index
            %get3A_572 = arith.constant 0 : index
            %get3A_573 = arith.constant 0 : index
            %get3A_574 = arith.constant 8 : index
            %get3A_575 = arith.index_cast %add3A_522 : i32 to index
            %get3A_576 = memref.load %arg4[%get3A_571, %get3A_572, %get3A_573, %get3A_574, %get3A_575] : memref<1x1x1x9x256xf32, #tpu.memory_space<smem>>
            %sub3A_577 = vector.broadcast %get3A_528 : f32 to vector<8x128xf32>
            %sub3A_578 = arith.subf %add3A_1, %sub3A_577 : vector<8x128xf32>
            %sub3A_579 = vector.broadcast %get3A_534 : f32 to vector<8x128xf32>
            %sub3A_580 = arith.subf %add3A_9, %sub3A_579 : vector<8x128xf32>
            %mul3A_581 = vector.broadcast %get3A_540 : f32 to vector<8x128xf32>
            %mul3A_582 = arith.mulf %mul3A_581, %sub3A_578 : vector<8x128xf32>
            %mul3A_583 = vector.broadcast %get3A_546 : f32 to vector<8x128xf32>
            %mul3A_584 = arith.mulf %mul3A_583, %sub3A_580 : vector<8x128xf32>
            %add3A_585 = arith.addf %mul3A_582, %mul3A_584 : vector<8x128xf32>
            %mul3A_586 = arith.mulf %sub3A_578, %add3A_585 : vector<8x128xf32>
            %mul3A_587 = arith.mulf %sub3A_580, %sub3A_580 : vector<8x128xf32>
            %mul3A_588 = vector.broadcast %get3A_552 : f32 to vector<8x128xf32>
            %mul3A_589 = arith.mulf %mul3A_588, %mul3A_587 : vector<8x128xf32>
            %add3A_590 = arith.addf %mul3A_586, %mul3A_589 : vector<8x128xf32>
            %exp3A_591 = math.exp %add3A_590 : vector<8x128xf32>
            %mul3A_592 = vector.broadcast %get3A_576 : f32 to vector<8x128xf32>
            %mul3A_593 = arith.mulf %mul3A_592, %exp3A_591 : vector<8x128xf32>
            %gt3A_594 = arith.constant 0.00392156886 : f32
            %gt3A_595 = vector.broadcast %gt3A_594 : f32 to vector<8x128xf32>
            %gt3A_596 = arith.cmpf ogt, %mul3A_593, %gt3A_595 : vector<8x128xf32>
            %jit3A_597 = arith.constant 0.000000e+00 : f32
            %broadcast_in_dim3A_598 = vector.broadcast %jit3A_597 : f32 to vector<8x128xf32>
            %select_n3A_599 = arith.select %gt3A_596, %mul3A_593, %broadcast_in_dim3A_598 : vector<8x128xi1>, vector<8x128xf32>
            %mul3A_600 = arith.mulf %select_n3A_599, %sub3A_518 : vector<8x128xf32>
            %mul3A_601 = vector.broadcast %get3A_558 : f32 to vector<8x128xf32>
            %mul3A_602 = arith.mulf %mul3A_600, %mul3A_601 : vector<8x128xf32>
            %add3A_603 = arith.addf %add3A_511, %mul3A_602 : vector<8x128xf32>
            %mul3A_604 = vector.broadcast %get3A_564 : f32 to vector<8x128xf32>
            %mul3A_605 = arith.mulf %mul3A_600, %mul3A_604 : vector<8x128xf32>
            %add3A_606 = arith.addf %add3A_514, %mul3A_605 : vector<8x128xf32>
            %mul3A_607 = vector.broadcast %get3A_570 : f32 to vector<8x128xf32>
            %mul3A_608 = arith.mulf %mul3A_600, %mul3A_607 : vector<8x128xf32>
            %add3A_609 = arith.addf %add3A_517, %mul3A_608 : vector<8x128xf32>
            %sub3A_610 = arith.subf %sub3A_518, %mul3A_600 : vector<8x128xf32>
            %mul3A_611 = arith.constant 8 : i32
            %mul3A_612 = arith.muli %scan3A_44, %mul3A_611 : i32
            %add3A_613 = arith.constant 6 : i32
            %add3A_614 = arith.addi %mul3A_612, %add3A_613 : i32
            %get3A_615 = arith.constant 0 : index
            %get3A_616 = arith.constant 0 : index
            %get3A_617 = arith.constant 0 : index
            %get3A_618 = arith.constant 0 : index
            %get3A_619 = arith.index_cast %add3A_614 : i32 to index
            %get3A_620 = memref.load %arg4[%get3A_615, %get3A_616, %get3A_617, %get3A_618, %get3A_619] : memref<1x1x1x9x256xf32, #tpu.memory_space<smem>>
            %get3A_621 = arith.constant 0 : index
            %get3A_622 = arith.constant 0 : index
            %get3A_623 = arith.constant 0 : index
            %get3A_624 = arith.constant 1 : index
            %get3A_625 = arith.index_cast %add3A_614 : i32 to index
            %get3A_626 = memref.load %arg4[%get3A_621, %get3A_622, %get3A_623, %get3A_624, %get3A_625] : memref<1x1x1x9x256xf32, #tpu.memory_space<smem>>
            %get3A_627 = arith.constant 0 : index
            %get3A_628 = arith.constant 0 : index
            %get3A_629 = arith.constant 0 : index
            %get3A_630 = arith.constant 2 : index
            %get3A_631 = arith.index_cast %add3A_614 : i32 to index
            %get3A_632 = memref.load %arg4[%get3A_627, %get3A_628, %get3A_629, %get3A_630, %get3A_631] : memref<1x1x1x9x256xf32, #tpu.memory_space<smem>>
            %get3A_633 = arith.constant 0 : index
            %get3A_634 = arith.constant 0 : index
            %get3A_635 = arith.constant 0 : index
            %get3A_636 = arith.constant 3 : index
            %get3A_637 = arith.index_cast %add3A_614 : i32 to index
            %get3A_638 = memref.load %arg4[%get3A_633, %get3A_634, %get3A_635, %get3A_636, %get3A_637] : memref<1x1x1x9x256xf32, #tpu.memory_space<smem>>
            %get3A_639 = arith.constant 0 : index
            %get3A_640 = arith.constant 0 : index
            %get3A_641 = arith.constant 0 : index
            %get3A_642 = arith.constant 4 : index
            %get3A_643 = arith.index_cast %add3A_614 : i32 to index
            %get3A_644 = memref.load %arg4[%get3A_639, %get3A_640, %get3A_641, %get3A_642, %get3A_643] : memref<1x1x1x9x256xf32, #tpu.memory_space<smem>>
            %get3A_645 = arith.constant 0 : index
            %get3A_646 = arith.constant 0 : index
            %get3A_647 = arith.constant 0 : index
            %get3A_648 = arith.constant 5 : index
            %get3A_649 = arith.index_cast %add3A_614 : i32 to index
            %get3A_650 = memref.load %arg4[%get3A_645, %get3A_646, %get3A_647, %get3A_648, %get3A_649] : memref<1x1x1x9x256xf32, #tpu.memory_space<smem>>
            %get3A_651 = arith.constant 0 : index
            %get3A_652 = arith.constant 0 : index
            %get3A_653 = arith.constant 0 : index
            %get3A_654 = arith.constant 6 : index
            %get3A_655 = arith.index_cast %add3A_614 : i32 to index
            %get3A_656 = memref.load %arg4[%get3A_651, %get3A_652, %get3A_653, %get3A_654, %get3A_655] : memref<1x1x1x9x256xf32, #tpu.memory_space<smem>>
            %get3A_657 = arith.constant 0 : index
            %get3A_658 = arith.constant 0 : index
            %get3A_659 = arith.constant 0 : index
            %get3A_660 = arith.constant 7 : index
            %get3A_661 = arith.index_cast %add3A_614 : i32 to index
            %get3A_662 = memref.load %arg4[%get3A_657, %get3A_658, %get3A_659, %get3A_660, %get3A_661] : memref<1x1x1x9x256xf32, #tpu.memory_space<smem>>
            %get3A_663 = arith.constant 0 : index
            %get3A_664 = arith.constant 0 : index
            %get3A_665 = arith.constant 0 : index
            %get3A_666 = arith.constant 8 : index
            %get3A_667 = arith.index_cast %add3A_614 : i32 to index
            %get3A_668 = memref.load %arg4[%get3A_663, %get3A_664, %get3A_665, %get3A_666, %get3A_667] : memref<1x1x1x9x256xf32, #tpu.memory_space<smem>>
            %sub3A_669 = vector.broadcast %get3A_620 : f32 to vector<8x128xf32>
            %sub3A_670 = arith.subf %add3A_1, %sub3A_669 : vector<8x128xf32>
            %sub3A_671 = vector.broadcast %get3A_626 : f32 to vector<8x128xf32>
            %sub3A_672 = arith.subf %add3A_9, %sub3A_671 : vector<8x128xf32>
            %mul3A_673 = vector.broadcast %get3A_632 : f32 to vector<8x128xf32>
            %mul3A_674 = arith.mulf %mul3A_673, %sub3A_670 : vector<8x128xf32>
            %mul3A_675 = vector.broadcast %get3A_638 : f32 to vector<8x128xf32>
            %mul3A_676 = arith.mulf %mul3A_675, %sub3A_672 : vector<8x128xf32>
            %add3A_677 = arith.addf %mul3A_674, %mul3A_676 : vector<8x128xf32>
            %mul3A_678 = arith.mulf %sub3A_670, %add3A_677 : vector<8x128xf32>
            %mul3A_679 = arith.mulf %sub3A_672, %sub3A_672 : vector<8x128xf32>
            %mul3A_680 = vector.broadcast %get3A_644 : f32 to vector<8x128xf32>
            %mul3A_681 = arith.mulf %mul3A_680, %mul3A_679 : vector<8x128xf32>
            %add3A_682 = arith.addf %mul3A_678, %mul3A_681 : vector<8x128xf32>
            %exp3A_683 = math.exp %add3A_682 : vector<8x128xf32>
            %mul3A_684 = vector.broadcast %get3A_668 : f32 to vector<8x128xf32>
            %mul3A_685 = arith.mulf %mul3A_684, %exp3A_683 : vector<8x128xf32>
            %gt3A_686 = arith.constant 0.00392156886 : f32
            %gt3A_687 = vector.broadcast %gt3A_686 : f32 to vector<8x128xf32>
            %gt3A_688 = arith.cmpf ogt, %mul3A_685, %gt3A_687 : vector<8x128xf32>
            %jit3A_689 = arith.constant 0.000000e+00 : f32
            %broadcast_in_dim3A_690 = vector.broadcast %jit3A_689 : f32 to vector<8x128xf32>
            %select_n3A_691 = arith.select %gt3A_688, %mul3A_685, %broadcast_in_dim3A_690 : vector<8x128xi1>, vector<8x128xf32>
            %mul3A_692 = arith.mulf %select_n3A_691, %sub3A_610 : vector<8x128xf32>
            %mul3A_693 = vector.broadcast %get3A_650 : f32 to vector<8x128xf32>
            %mul3A_694 = arith.mulf %mul3A_692, %mul3A_693 : vector<8x128xf32>
            %add3A_695 = arith.addf %add3A_603, %mul3A_694 : vector<8x128xf32>
            %mul3A_696 = vector.broadcast %get3A_656 : f32 to vector<8x128xf32>
            %mul3A_697 = arith.mulf %mul3A_692, %mul3A_696 : vector<8x128xf32>
            %add3A_698 = arith.addf %add3A_606, %mul3A_697 : vector<8x128xf32>
            %mul3A_699 = vector.broadcast %get3A_662 : f32 to vector<8x128xf32>
            %mul3A_700 = arith.mulf %mul3A_692, %mul3A_699 : vector<8x128xf32>
            %add3A_701 = arith.addf %add3A_609, %mul3A_700 : vector<8x128xf32>
            %sub3A_702 = arith.subf %sub3A_610, %mul3A_692 : vector<8x128xf32>
            %mul3A_703 = arith.constant 8 : i32
            %mul3A_704 = arith.muli %scan3A_44, %mul3A_703 : i32
            %add3A_705 = arith.constant 7 : i32
            %add3A_706 = arith.addi %mul3A_704, %add3A_705 : i32
            %get3A_707 = arith.constant 0 : index
            %get3A_708 = arith.constant 0 : index
            %get3A_709 = arith.constant 0 : index
            %get3A_710 = arith.constant 0 : index
            %get3A_711 = arith.index_cast %add3A_706 : i32 to index
            %get3A_712 = memref.load %arg4[%get3A_707, %get3A_708, %get3A_709, %get3A_710, %get3A_711] : memref<1x1x1x9x256xf32, #tpu.memory_space<smem>>
            %get3A_713 = arith.constant 0 : index
            %get3A_714 = arith.constant 0 : index
            %get3A_715 = arith.constant 0 : index
            %get3A_716 = arith.constant 1 : index
            %get3A_717 = arith.index_cast %add3A_706 : i32 to index
            %get3A_718 = memref.load %arg4[%get3A_713, %get3A_714, %get3A_715, %get3A_716, %get3A_717] : memref<1x1x1x9x256xf32, #tpu.memory_space<smem>>
            %get3A_719 = arith.constant 0 : index
            %get3A_720 = arith.constant 0 : index
            %get3A_721 = arith.constant 0 : index
            %get3A_722 = arith.constant 2 : index
            %get3A_723 = arith.index_cast %add3A_706 : i32 to index
            %get3A_724 = memref.load %arg4[%get3A_719, %get3A_720, %get3A_721, %get3A_722, %get3A_723] : memref<1x1x1x9x256xf32, #tpu.memory_space<smem>>
            %get3A_725 = arith.constant 0 : index
            %get3A_726 = arith.constant 0 : index
            %get3A_727 = arith.constant 0 : index
            %get3A_728 = arith.constant 3 : index
            %get3A_729 = arith.index_cast %add3A_706 : i32 to index
            %get3A_730 = memref.load %arg4[%get3A_725, %get3A_726, %get3A_727, %get3A_728, %get3A_729] : memref<1x1x1x9x256xf32, #tpu.memory_space<smem>>
            %get3A_731 = arith.constant 0 : index
            %get3A_732 = arith.constant 0 : index
            %get3A_733 = arith.constant 0 : index
            %get3A_734 = arith.constant 4 : index
            %get3A_735 = arith.index_cast %add3A_706 : i32 to index
            %get3A_736 = memref.load %arg4[%get3A_731, %get3A_732, %get3A_733, %get3A_734, %get3A_735] : memref<1x1x1x9x256xf32, #tpu.memory_space<smem>>
            %get3A_737 = arith.constant 0 : index
            %get3A_738 = arith.constant 0 : index
            %get3A_739 = arith.constant 0 : index
            %get3A_740 = arith.constant 5 : index
            %get3A_741 = arith.index_cast %add3A_706 : i32 to index
            %get3A_742 = memref.load %arg4[%get3A_737, %get3A_738, %get3A_739, %get3A_740, %get3A_741] : memref<1x1x1x9x256xf32, #tpu.memory_space<smem>>
            %get3A_743 = arith.constant 0 : index
            %get3A_744 = arith.constant 0 : index
            %get3A_745 = arith.constant 0 : index
            %get3A_746 = arith.constant 6 : index
            %get3A_747 = arith.index_cast %add3A_706 : i32 to index
            %get3A_748 = memref.load %arg4[%get3A_743, %get3A_744, %get3A_745, %get3A_746, %get3A_747] : memref<1x1x1x9x256xf32, #tpu.memory_space<smem>>
            %get3A_749 = arith.constant 0 : index
            %get3A_750 = arith.constant 0 : index
            %get3A_751 = arith.constant 0 : index
            %get3A_752 = arith.constant 7 : index
            %get3A_753 = arith.index_cast %add3A_706 : i32 to index
            %get3A_754 = memref.load %arg4[%get3A_749, %get3A_750, %get3A_751, %get3A_752, %get3A_753] : memref<1x1x1x9x256xf32, #tpu.memory_space<smem>>
            %get3A_755 = arith.constant 0 : index
            %get3A_756 = arith.constant 0 : index
            %get3A_757 = arith.constant 0 : index
            %get3A_758 = arith.constant 8 : index
            %get3A_759 = arith.index_cast %add3A_706 : i32 to index
            %get3A_760 = memref.load %arg4[%get3A_755, %get3A_756, %get3A_757, %get3A_758, %get3A_759] : memref<1x1x1x9x256xf32, #tpu.memory_space<smem>>
            %sub3A_761 = vector.broadcast %get3A_712 : f32 to vector<8x128xf32>
            %sub3A_762 = arith.subf %add3A_1, %sub3A_761 : vector<8x128xf32>
            %sub3A_763 = vector.broadcast %get3A_718 : f32 to vector<8x128xf32>
            %sub3A_764 = arith.subf %add3A_9, %sub3A_763 : vector<8x128xf32>
            %mul3A_765 = vector.broadcast %get3A_724 : f32 to vector<8x128xf32>
            %mul3A_766 = arith.mulf %mul3A_765, %sub3A_762 : vector<8x128xf32>
            %mul3A_767 = vector.broadcast %get3A_730 : f32 to vector<8x128xf32>
            %mul3A_768 = arith.mulf %mul3A_767, %sub3A_764 : vector<8x128xf32>
            %add3A_769 = arith.addf %mul3A_766, %mul3A_768 : vector<8x128xf32>
            %mul3A_770 = arith.mulf %sub3A_762, %add3A_769 : vector<8x128xf32>
            %mul3A_771 = arith.mulf %sub3A_764, %sub3A_764 : vector<8x128xf32>
            %mul3A_772 = vector.broadcast %get3A_736 : f32 to vector<8x128xf32>
            %mul3A_773 = arith.mulf %mul3A_772, %mul3A_771 : vector<8x128xf32>
            %add3A_774 = arith.addf %mul3A_770, %mul3A_773 : vector<8x128xf32>
            %exp3A_775 = math.exp %add3A_774 : vector<8x128xf32>
            %mul3A_776 = vector.broadcast %get3A_760 : f32 to vector<8x128xf32>
            %mul3A_777 = arith.mulf %mul3A_776, %exp3A_775 : vector<8x128xf32>
            %gt3A_778 = arith.constant 0.00392156886 : f32
            %gt3A_779 = vector.broadcast %gt3A_778 : f32 to vector<8x128xf32>
            %gt3A_780 = arith.cmpf ogt, %mul3A_777, %gt3A_779 : vector<8x128xf32>
            %jit3A_781 = arith.constant 0.000000e+00 : f32
            %broadcast_in_dim3A_782 = vector.broadcast %jit3A_781 : f32 to vector<8x128xf32>
            %select_n3A_783 = arith.select %gt3A_780, %mul3A_777, %broadcast_in_dim3A_782 : vector<8x128xi1>, vector<8x128xf32>
            %mul3A_784 = arith.mulf %select_n3A_783, %sub3A_702 : vector<8x128xf32>
            %mul3A_785 = vector.broadcast %get3A_742 : f32 to vector<8x128xf32>
            %mul3A_786 = arith.mulf %mul3A_784, %mul3A_785 : vector<8x128xf32>
            %add3A_787 = arith.addf %add3A_695, %mul3A_786 : vector<8x128xf32>
            %mul3A_788 = vector.broadcast %get3A_748 : f32 to vector<8x128xf32>
            %mul3A_789 = arith.mulf %mul3A_784, %mul3A_788 : vector<8x128xf32>
            %add3A_790 = arith.addf %add3A_698, %mul3A_789 : vector<8x128xf32>
            %mul3A_791 = vector.broadcast %get3A_754 : f32 to vector<8x128xf32>
            %mul3A_792 = arith.mulf %mul3A_784, %mul3A_791 : vector<8x128xf32>
            %add3A_793 = arith.addf %add3A_701, %mul3A_792 : vector<8x128xf32>
            %sub3A_794 = arith.subf %sub3A_702, %mul3A_784 : vector<8x128xf32>
            %swap3A = arith.constant 0 : index
            %swap3A_795 = arith.constant 0 : index
            %swap3A_796 = vector.load %arg6[%swap3A, %swap3A_795] : memref<8x128xf32, #tpu.memory_space<vmem>>, vector<8x128xf32>
            tpu.vector_store %arg6[%swap3A, %swap3A_795], %sub3A_794 {strides = array<i32>} : memref<8x128xf32, #tpu.memory_space<vmem>>, vector<8x128xf32>,
            %swap3A_797 = arith.constant 0 : index
            %swap3A_798 = arith.constant 0 : index
            %swap3A_799 = vector.load %arg7[%swap3A_797, %swap3A_798] : memref<8x128xf32, #tpu.memory_space<vmem>>, vector<8x128xf32>
            tpu.vector_store %arg7[%swap3A_797, %swap3A_798], %add3A_787 {strides = array<i32>} : memref<8x128xf32, #tpu.memory_space<vmem>>, vector<8x128xf32>,
            %swap3A_800 = arith.constant 0 : index
            %swap3A_801 = arith.constant 0 : index
            %swap3A_802 = vector.load %arg8[%swap3A_800, %swap3A_801] : memref<8x128xf32, #tpu.memory_space<vmem>>, vector<8x128xf32>
            tpu.vector_store %arg8[%swap3A_800, %swap3A_801], %add3A_790 {strides = array<i32>} : memref<8x128xf32, #tpu.memory_space<vmem>>, vector<8x128xf32>,
            %swap3A_803 = arith.constant 0 : index
            %swap3A_804 = arith.constant 0 : index
            %swap3A_805 = vector.load %arg9[%swap3A_803, %swap3A_804] : memref<8x128xf32, #tpu.memory_space<vmem>>, vector<8x128xf32>
            tpu.vector_store %arg9[%swap3A_803, %swap3A_804], %add3A_793 {strides = array<i32>} : memref<8x128xf32, #tpu.memory_space<vmem>>, vector<8x128xf32>,
          } else {
          }
        }
        %scan3A_43 = arith.constant 32 : i32
      } else {
      }
    } else {
    }
    %eq3A_22 = arith.constant 16 : i32
    %eq3A_23 = arith.cmpi eq, %arg2, %eq3A_22 : i32
    %convert_element_type3A_24 = arith.extui %eq3A_23 : i1 to i32
    %cond3A_25 = arith.constant 0 : i32
    %cond3A_26 = arith.cmpi ne, %convert_element_type3A_24, %cond3A_25 : i32
    scf.if %cond3A_26 {
      %get3A_27 = arith.constant 0 : index
      %get3A_28 = arith.constant 0 : index
      %get3A_29 = vector.load %arg7[%get3A_27, %get3A_28] : memref<8x128xf32, #tpu.memory_space<vmem>>, vector<8x128xf32>
      %swap3A = arith.constant 0 : index
      %swap3A_30 = arith.constant 0 : index
      %swap3A_31 = arith.constant 0 : index
      %swap3A_32 = arith.constant 0 : index
      %swap3A_33 = vector.load %arg5[%swap3A, %swap3A_30, %swap3A_31, %swap3A_32] : memref<1x3x8x128xf32, #tpu.memory_space<vmem>>, vector<1x1x8x128xf32>
      %swap3A_34 = vector.shape_cast %swap3A_33 : vector<1x1x8x128xf32> to vector<8x128xf32>
      %swap3A_35 = vector.shape_cast %get3A_29 : vector<8x128xf32> to vector<1x1x8x128xf32>
      tpu.vector_store %arg5[%swap3A, %swap3A_30, %swap3A_31, %swap3A_32], %swap3A_35 {strides = array<i32>} : memref<1x3x8x128xf32, #tpu.memory_space<vmem>>, vector<1x1x8x128xf32>,
      %get3A_36 = arith.constant 0 : index
      %get3A_37 = arith.constant 0 : index
      %get3A_38 = vector.load %arg8[%get3A_36, %get3A_37] : memref<8x128xf32, #tpu.memory_space<vmem>>, vector<8x128xf32>
      %swap3A_39 = arith.constant 0 : index
      %swap3A_40 = arith.constant 1 : index
      %swap3A_41 = arith.constant 0 : index
      %swap3A_42 = arith.constant 0 : index
      %swap3A_43 = vector.load %arg5[%swap3A_39, %swap3A_40, %swap3A_41, %swap3A_42] : memref<1x3x8x128xf32, #tpu.memory_space<vmem>>, vector<1x1x8x128xf32>
      %swap3A_44 = vector.shape_cast %swap3A_43 : vector<1x1x8x128xf32> to vector<8x128xf32>
      %swap3A_45 = vector.shape_cast %get3A_38 : vector<8x128xf32> to vector<1x1x8x128xf32>
      tpu.vector_store %arg5[%swap3A_39, %swap3A_40, %swap3A_41, %swap3A_42], %swap3A_45 {strides = array<i32>} : memref<1x3x8x128xf32, #tpu.memory_space<vmem>>, vector<1x1x8x128xf32>,
      %get3A_46 = arith.constant 0 : index
      %get3A_47 = arith.constant 0 : index
      %get3A_48 = vector.load %arg9[%get3A_46, %get3A_47] : memref<8x128xf32, #tpu.memory_space<vmem>>, vector<8x128xf32>
      %swap3A_49 = arith.constant 0 : index
      %swap3A_50 = arith.constant 2 : index
      %swap3A_51 = arith.constant 0 : index
      %swap3A_52 = arith.constant 0 : index
      %swap3A_53 = vector.load %arg5[%swap3A_49, %swap3A_50, %swap3A_51, %swap3A_52] : memref<1x3x8x128xf32, #tpu.memory_space<vmem>>, vector<1x1x8x128xf32>
      %swap3A_54 = vector.shape_cast %swap3A_53 : vector<1x1x8x128xf32> to vector<8x128xf32>
      %swap3A_55 = vector.shape_cast %get3A_48 : vector<8x128xf32> to vector<1x1x8x128xf32>
      tpu.vector_store %arg5[%swap3A_49, %swap3A_50, %swap3A_51, %swap3A_52], %swap3A_55 {strides = array<i32>} : memref<1x3x8x128xf32, #tpu.memory_space<vmem>>, vector<1x1x8x128xf32>,
    } else {
    }
    return
  }
  func.func @transform_0(%arg0: i32, %arg1: i32, %arg2: i32, %arg3: memref<32xi32, #tpu.memory_space<smem>>) -> (i32, i32, i32, i32, i32) {
    %mul3A = arith.constant 16 : i32
    %mul3A_0 = arith.muli %arg0, %mul3A : i32
    %add3A = arith.addi %mul3A_0, %arg1 : i32
    %get3A = arith.index_cast %add3A : i32 to index
    %get3A_1 = memref.load %arg3[%get3A] : memref<32xi32, #tpu.memory_space<smem>>
    %add3A_2 = arith.constant 256 : i32
    %add3A_3 = arith.addi %get3A_1, %add3A_2 : i32
    %sub3A = arith.constant 1 : i32
    %sub3A_4 = arith.subi %add3A_3, %sub3A : i32
    %jit3A = arith.constant 256 : i32
    %div3A = arith.divsi %sub3A_4, %jit3A : i32
    %sign3A = arith.constant 0 : i32
    %sign3A_5 = arith.cmpi sgt, %sub3A_4, %sign3A : i32
    %sign3A_6 = arith.extui %sign3A_5 : i1 to i32
    %sign3A_7 = arith.constant 0 : i32
    %sign3A_8 = arith.cmpi slt, %sub3A_4, %sign3A_7 : i32
    %sign3A_9 = arith.extui %sign3A_8 : i1 to i32
    %sign3A_10 = arith.subi %sign3A_6, %sign3A_9 : i32
    %sign3A_11 = arith.constant 0 : i32
    %sign3A_12 = arith.cmpi sgt, %jit3A, %sign3A_11 : i32
    %sign3A_13 = arith.extui %sign3A_12 : i1 to i32
    %sign3A_14 = arith.constant 0 : i32
    %sign3A_15 = arith.cmpi slt, %jit3A, %sign3A_14 : i32
    %sign3A_16 = arith.extui %sign3A_15 : i1 to i32
    %sign3A_17 = arith.subi %sign3A_13, %sign3A_16 : i32
    %ne3A = arith.cmpi ne, %sign3A_10, %sign3A_17 : i32
    %rem3A = arith.remsi %sub3A_4, %jit3A : i32
    %ne3A_18 = arith.constant 0 : i32
    %ne3A_19 = arith.cmpi ne, %rem3A, %ne3A_18 : i32
    %and3A = arith.andi %ne3A, %ne3A_19 : i1
    %sub3A_20 = arith.constant 1 : i32
    %sub3A_21 = arith.subi %div3A, %sub3A_20 : i32
    %select_n3A = arith.select %and3A, %sub3A_21, %div3A : i32
    %sub3A_22 = arith.constant 1 : i32
    %sub3A_23 = arith.subi %select_n3A, %sub3A_22 : i32
    %max3A = arith.constant 0 : i32
    %max3A_24 = arith.maxsi %sub3A_23, %max3A : i32
    %min3A = arith.minsi %arg2, %max3A_24 : i32
    %c0_i32 = arith.constant 0 : i32
    %c0_i32_25 = arith.constant 0 : i32
    %c0_i32_26 = arith.constant 0 : i32
    return %arg0, %arg1, %min3A, %c0_i32, %c0_i32_25 : i32, i32, i32, i32, i32
  }
  func.func @transform_1(%arg0: i32, %arg1: i32, %arg2: i32, %arg3: memref<32xi32, #tpu.memory_space<smem>>) -> (i32, i32, i32, i32) {
    %c0_i32 = arith.constant 0 : i32
    %c0_i32_0 = arith.constant 0 : i32
    %c0_i32_1 = arith.constant 0 : i32
    return %arg0, %c0_i32, %arg1, %c0_i32_0 : i32, i32, i32, i32
  }
}

</mosaic_0001>

<sc_bundles>
// kernel: kernel.5.cloned.1.call-start
scs
__scs_entry_jumppad:
0x0: {  	(pc) =	sbr.rel $0x88, $3  }
0x1: {  	(tag) =	ssettag $0x0;
	lr =	simm.s32 $0x1  }
0x2: {  	[smem:$0x3F9C] =	sst lr;
	_ =	strace $0xD0000000  }
0x3: {  	_ = 	snop  }
0x4: {  	_ = 	snop  }
0x5: {  	_ = 	snop  }
0x6: {  	_ = 	snop  }
0x7: {  	_ = 	snop  }
__scs_overlays_trampoline_lowered:
0x8: {  	[smem:$0x3FAB] =	sst s0  }
0x9: {  	[smem:$0x3FAC] =	sst s1  }
0xa: {  	[smem:$0x3FAD] =	sst s2  }
0xb: {  	[smem:$0x3FAE] =	sst s3  }
0xc: {  	[smem:$0x3FAF] =	sst s4  }
0xd: {  	[smem:$0x3FB0] =	sst s5  }
0xe: {  	[smem:$0x3FB1] =	sst s6  }
0xf: {  	[smem:$0x3FB2] =	sst s7  }
0x10: {  	[smem:$0x3FB3] =	sst s8  }
0x11: {  	[smem:$0x3FB4] =	sst s9;
	s0 =	simm.s32 @!p0 $0x0  }
0x12: {  	s1 =	sld [smem:$0x3F9A];
	s0 =	simm.s32 @p0 $0x1  }
0x13: {  	[smem:$0x3FB5] =	sst s0;
	s0 =	simm.s32 @!p1 $0x0  }
0x14: {  	s2 =	sld [smem:$0x3F99];
	s0 =	simm.s32 @p1 $0x1  }
0x15: {  	[smem:$0x3FB6] =	sst s0;
	s0 =	simm.s32 @!p2 $0x0  }
0x16: {  	s3 =	sld [smem:$0x3FDB];
	s0 =	simm.s32 @p2 $0x1  }
0x17: {  	s4 =	simm.s32 $0x1BF5;
	[smem:$0x3FB8] =	sst s0  }
0x18: {  	s0 =	sld [smem:$0x3F9B];
	_ =	swait.ge [sflag:s4], $0x0  }
0x19: {  	s7 =	sld [smem:$0x3F9C]  }
0x1a: {  	s8 =	sadd.s32 $0xFFFFE003, lr  }
0x1b: {  	s9 =	sadd.s32 $0xFFFFFEF7, lr;
	s5 =	simm.s32 $0xFFFFFFFF;
	p2 =	slt.u32 s8, $0xFFFFF086  }
0x1c: {  	p1 =	slt.u32 s9, $0xF7A;
	s5 =	simm.s32 @!p2 $0x0  }
0x1d: {  	s5 =	simm.s32 @p1 $0x1;
	p0 =	seq.s32 s7, s2  }
0x1e: {  	s7 =	smul.u32 @!p0 $0xF7A, s2;
	p2 =	seq.s32 @!p0 s5, $0x0  }
0x1f: {  	s9 =	smul.u32 $0xF7A, s1;
	s8 =	simm.s32 @!p0 $0x1BF5;
	p2 =	por !p2, p0  }
0x20: {  	[sflag:s8] =	ssyncset.s32 @!p0 $0xFFFFF086;
	s6 =	sadd.s32 @!p0 s3, s7;
	s7 =	simm.s32 @!p0 $0x108  }
0x21: {  	s3 =	sadd.s32 s3, s9;
	s6 =	sadd.s32 @!p0 $0x88, s6;
	s7 =	simm.s32 @p2 $0x1082  }
0x22: {  	[simem:s7], [sflag:s8] =	dma.local @!p0 [hbm:s6], $0xF7A  }
0x23: {  	s9 =	sor.u32 $0xD0000000, s2;
	s6 =	simm.s32 $0x108;
	_ =	swait.ge @!p0 [sflag:s8], $0x0  }
0x24: {  	s3 =	sadd.s32 $0x88, s3;
	s6 =	simm.s32 @!p1 $0x1082;
	[sflag:s4] =	ssyncset.s32 $0xFFFFF086  }
0x25: {  	[simem:s6], [sflag:s4] =	dma.local [hbm:s3], $0xF7A  }
0x26: {  	[smem:$0x3F9C] =	sst s1;
	(tag) =	ssettag s2;
	_ =	strace s9  }
0x27: {  	s1 =	sld [smem:$0x3FAC]  }
0x28: {  	s2 =	sld [smem:$0x3FAD]  }
0x29: {  	s4 =	sld [smem:$0x3FAF]  }
0x2a: {  	p0 =	seq.s32 s5, $0x0;
	s5 =	sld [smem:$0x3FB0]  }
0x2b: {  	s6 =	sld [smem:$0x3FB1]  }
0x2c: {  	s7 =	sld [smem:$0x3FB2]  }
0x2d: {  	s3 =	simm.s32 $0x108;
	s8 =	sld [smem:$0x3FB3]  }
0x2e: {  	s3 =	simm.s32 @!p0 $0x1082;
	s9 =	sld [smem:$0x3FB4]  }
0x2f: {  	lr =	sadd.s32 s0, s3;
	s0 =	sld [smem:$0x3FAB]  }
0x30: {  	s3 =	sld [smem:$0x3FAE]  }
0x31: {  	[smem:$0x3FB7] =	sst s10  }
0x32: {  	s10 =	sld [smem:$0x3FB5];
	_ =	sdelay $0x3  }
0x33: {  	p0 =	seq.s32 s10, $0x1;
	s10 =	sld [smem:$0x3FB7];
	_ =	sdelay $0x3  }
0x34: {  	[smem:$0x3FB7] =	sst s10  }
0x35: {  	s10 =	sld [smem:$0x3FB6];
	_ =	sdelay $0x3  }
0x36: {  	p1 =	seq.s32 s10, $0x1;
	s10 =	sld [smem:$0x3FB7];
	_ =	sdelay $0x3  }
0x37: {  	[smem:$0x3FB7] =	sst s10  }
0x38: {  	s10 =	sld [smem:$0x3FB8]  }
0x39: {  	_ = 	snop;
	(pc) =	sbr.ind lr, $3  }
0x3a: {  	_ = 	snop  }
0x3b: {  	_ = 	snop  }
0x3c: {  	p2 =	seq.s32 s10, $0x1;
	s10 =	sld [smem:$0x3FB7]  }
0x3d: {  	_ =	shalt  }
0x3e: {  	_ =	shalt  }
0x3f: {  	_ =	shalt  }
0x40: {  	_ =	shalt  }
0x41: {  	_ =	shalt  }
0x42: {  	_ =	shalt  }
0x43: {  	_ =	shalt  }
0x44: {  	_ =	shalt  }
0x45: {  	_ =	shalt  }
0x46: {  	_ =	shalt  }
0x47: {  	_ =	shalt  }
0x48: {  	_ =	shalt  }
0x49: {  	_ =	shalt  }
0x4a: {  	_ =	shalt  }
0x4b: {  	_ =	shalt  }
0x4c: {  	_ =	shalt  }
0x4d: {  	_ =	shalt  }
0x4e: {  	_ =	shalt  }
0x4f: {  	_ =	shalt  }
0x50: {  	_ =	shalt  }
0x51: {  	_ =	shalt  }
0x52: {  	_ =	shalt  }
0x53: {  	_ =	shalt  }
0x54: {  	_ =	shalt  }
0x55: {  	_ =	shalt  }
0x56: {  	_ =	shalt  }
0x57: {  	_ =	shalt  }
0x58: {  	_ =	shalt  }
0x59: {  	_ =	shalt  }
0x5a: {  	_ =	shalt  }
0x5b: {  	_ =	shalt  }
0x5c: {  	_ =	shalt  }
0x5d: {  	_ =	shalt  }
0x5e: {  	_ =	shalt  }
0x5f: {  	_ =	shalt  }
0x60: {  	_ =	shalt  }
0x61: {  	_ =	shalt  }
0x62: {  	_ =	shalt  }
0x63: {  	_ =	shalt  }
0x64: {  	_ =	shalt  }
0x65: {  	_ =	shalt  }
0x66: {  	_ =	shalt  }
0x67: {  	_ =	shalt  }
0x68: {  	_ =	shalt  }
0x69: {  	_ =	shalt  }
0x6a: {  	_ =	shalt  }
0x6b: {  	_ =	shalt  }
0x6c: {  	_ =	shalt  }
0x6d: {  	_ =	shalt  }
0x6e: {  	_ =	shalt  }
0x6f: {  	_ =	shalt  }
0x70: {  	_ =	shalt  }
0x71: {  	_ =	shalt  }
0x72: {  	_ =	shalt  }
0x73: {  	_ =	shalt  }
0x74: {  	_ =	shalt  }
0x75: {  	_ =	shalt  }
0x76: {  	_ =	shalt  }
0x77: {  	_ =	shalt  }
0x78: {  	_ =	shalt  }
0x79: {  	_ =	shalt  }
0x7a: {  	_ =	shalt  }
0x7b: {  	_ =	shalt  }
0x7c: {  	_ =	shalt  }
0x7d: {  	_ =	shalt  }
0x7e: {  	_ =	shalt  }
0x7f: {  	_ =	shalt  }
0x80: {  	_ =	shalt  }
0x81: {  	_ =	shalt  }
0x82: {  	_ =	shalt  }
0x83: {  	_ =	shalt  }
0x84: {  	_ =	shalt  }
0x85: {  	_ =	shalt  }
0x86: {  	_ =	shalt  }
0x87: {  	_ =	shalt  }
.Lfunc_end0:
.L_simem_size_0:
called_computation_lowered:
.L_overlay_start_0:
0x88: {  	s2 =	sld [smem:$0x3FD9]  }
0x89: {  	s3 =	sld [smem:$0x3FFE];
	_ =	sdelay $0x1  }
0x8a: {  	s1 =	srdreg.scid  }
0x8b: {  	s0 =	sand.u32 $0x1, s1  }
0x8c: {  	s17 =	sshll.u32 s0, $0xA;
	s2 =	sadd.s32 s3, s2  }
0x8d: {  	s2 =	sadd.s32 s2, s17  }
0x8e: {  	[smem:$0x3FC3] =	sst s2  }
0x8f: {  	_ = 	snop  }
0x90: {  	s2 =	sld [smem:$0x3FD0];
	(tm) =	ssettm $0x1  }
0x91: {  	s18 =	sld [smem:$0x3FFB];
	_ =	sdelay $0x3  }
0x92: {  	_ =	strace s18  }
0x93: {  	s3 =	sld [smem:$0x3FFC];
	_ =	sdelay $0x3  }
0x94: {  	_ =	strace s3  }
0x95: {  	s3 =	sld [smem:$0x3FFD];
	_ =	sdelay $0x3  }
0x96: {  	_ =	strace s3  }
0x97: {  	_ =	strace $0x8FFFFFFF  }
0x98: {  	s19 =	sld [smem:$0x3FDB];
	_ =	sdelay $0x1  }
0x99: {  	s4 =	simm.s32 $_scs_section_size  }
0x9a: {  	s5 =	simm.s32 $_size__tile_overlayer_lowered;
	s6 =	simm.s32 $_tile_overlayer_lowered  }
0x9b: {  	s22 =	simm.s32 $0x1BFF;
	s21 =	sshll.u32 s6, $0x1;
	s3 =	sadd.s32 s4, s19  }
0x9c: {  	s7 =	simm.s32 $0x0;
	s20 =	sshll.u32 s5, $0x1;
	s5 =	sadd.s32 s21, s3  }
0x9d: {  	[timem:s7], [sflag:s22] =	dma.local [hbm:s5], s20  }
0x9e: {  	_ =	swait.ge [sflag:s22], s20  }
0x9f: {  	s4 =	ssub.s32 $0x0, s20;
	[sflag:s22] =	ssyncset.done $0x0  }
0xa0: {  	[sflag:s22] =	ssyncadd.s32 s4;
	_ =	sdelay $0x1  }
0xa1: {  	s23 =	simm.s32 $0x1B8B  }
0xa2: {  	_ =	swait.ge [sflag:s23], $0x1  }
0xa3: {  	[sflag:s23] =	ssyncset.done $0x0  }
0xa4: {  	s25 =	simm.s32 $0x1B8E;
	s24 =	sld [smem:$0x3FFE];
	[sflag:s23] =	ssyncadd.s32 $0xFFFFFFFF  }
0xa5: {  	s26 =	simm.s32 $execute0_lowered;
	[smem:$0x3FD2] =	sst s25  }
0xa6: {  	s5 =	sshll.u32 s26, $0x1;
	_ =	strace $0x80000046;
	[dreg:$0x1] =	wrdreg $0xFFFFFFFF  }
0xa7: {  	s28 =	simm.s32 $_size_execute0_lowered;
	s3 =	sadd.s32 s3, s5;
	[dreg:$0x0] =	wrdreg $0x0  }
0xa8: {  	s5 =	sshll.u32 s28, $0x1;
	[dreg:$0x2] =	wrdreg s3  }
0xa9: {  	[dreg:$0x3] =	wrdreg s5  }
0xaa: {  	[dreg:$0x4] =	wrdreg $0xC0  }
0xab: {  	_ =	task [dreg:s7], $0x5FFFF  }
0xac: {  	[dreg:$0x1] =	wrdreg $0xFFFFFFFF  }
0xad: {  	[dreg:$0x0] =	wrdreg $0x60  }
0xae: {  	[dreg:$0x2] =	wrdreg s24  }
0xaf: {  	[dreg:$0x3] =	wrdreg s2  }
0xb0: {  	[dreg:$0x4] =	wrdreg $0x9  }
0xb1: {  	_ =	task.clear_ibuf [dreg:s7], $0x5FFFF;
	_ =	strace $0x90000046  }
0xb2: {  	s29 =	simm.s32 $0x9;
	_ =	strace $0x80000048  }
0xb3: {  	_ =	swait.ge [sflag:s29], $0x1  }
0xb4: {  	[sflag:s29] =	ssyncadd.s32 $0xFFFFFFFF  }
0xb5: {  	_ =	strace $0x90000048  }
0xb6: {  	_ =	sfence  }
0xb7: {  	s30 =	sld [smem:$0x0];
	_ =	sdelay $0x2  }
0xb8: {  	s31 =	sshll.u32 s1, $0xD;
	s1 =	sshrl.u32 s1, $0x2  }
0xb9: {  	s3 =	sand.u32 $0x4000, s31;
	s1 =	sadd.s32 s1, s30  }
0xba: {  	s0 =	sor.u32 s3, s0;
	s1 =	sshll.u32 s1, $0x11  }
0xbb: {  	s0 =	sor.u32 s1, s0  }
0xbc: {  	s0 =	sadd.s32 $0x8F2B, s0  }
0xbd: {  	[sflag:s0] =	ssyncadd.remote.s32 $0x1  }
0xbe: {  	_ =	sfence.sel $0xFFFF  }
0xbf: {  	[dreg:$0x0] =	wrdreg $0xFFFFFFFF;
	(pc) =	sbr.abs _section_cstart, $3  }
0xc0: {  	[dreg:$0x1] =	wrdreg $0xFFFFFFFF  }
0xc1: {  	_ =	task.clear_ibuf [dreg:s7], $0x2FFFF;
	_ =	strace $0x9FFFFFFF  }
0xc2: {  	(tm) =	ssettm $0x7FFFFFFF  }
0xc3: {  	_ =	shalt  }
tec
execute0_lowered:
.L_overlay_start_1:
0x0: {  	(tag) =	ssettag $0x1  }
0x1: {  	s3 =	rddreg [dreg:$0x0]  }
0x2: {  	s5 =	rddreg [dreg:$0x1]  }
0x3: {  	s1 =	stileid.u32;
	s0 =	rddreg [dreg:$0x2]  }
0x4: {  	s2 =	srdreg.scid;
	s13 =	simm.s32 $0x2000;
	s14 =	simm.s32 $0xB000  }
0x5: {  	s15 =	simm.s32 $0xC000;
	s16 =	simm.s32 $0x1D000;
	s17 =	simm.s32 $0x0  }
0x6: {  	s4 =	sshll.u32 s1, $0x1;
	s6 =	sshrl.u32 s1, $0x3;
	s7 =	sand.u32 $0x1, s2  }
0x7: {  	s2 =	simm.s32 $0x0;
	s26 =	sshll.u32 s1, $0x5;
	s4 =	sand.u32 $0xE, s4  }
0x8: {  	s25 =	smul.u32 $0x110000, s6;
	[smem:$0x7FF] =	sst s2;
	s9 =	sshll.u32 s6, $0x4  }
0x9: {  	s6 =	sshll.u32 s6, $0x8;
	s12 =	sor.u32 s7, s4;
	_ =	strace $0x80000047  }
0xa: {  	s10 =	sadd.s32 s9, s3;
	s7 =	ssub.s32 $0x2, s7;
	s5 =	sadd.s32 s5, s9  }
0xb: {  	s9 =	simm.s32 $0x80;
	s8 =	smul.u32 $0x11000, s12;
	s29 =	sshrl.u32 s7, $0x1  }
0xc: {  	s31 =	sshll.u32 s12, $0x4;
	v0 =	vmov s12;
	s12 =	simm.s32 $0x1000;
	s30 =	ssub.s32 s7, s29  }
0xd: {  	s7 =	sand.u32 $0x70, s31;
	s4 =	sadd.s32 s25, s8;
	s8 =	sand.u32 $0x80, s26  }
0xe: {  	s4 =	sshrl.u32 s4, $0x3;
	s28 =	sadd.s32 s8, s3;
	s8 =	smax.u32 s30, $0x1  }
0xf: {  	s11 =	sadd.s32 s4, s3;
	s3 =	sadd.s32 $0xA00, s10;
	s6 =	sadd.s32 s6, s28  }
0x10: {  	v1 =	vlaneseq.u32;
	v2 =	vimm.s32 $0x0;
	s4 =	sadd.s32 $0xE00, s10;
	s10 =	simm.s32 $0x100;
	s7 =	sadd.s32 s7, s6  }
0x11: {  	v3 =	vimm.f32 $1.000000000e+09;
	v4 =	vimm.f32 $-5.000000000e-01;
	v5 =	vimm.f32 $0.0e+00;
	s6 =	sadd.s32 $0x1400, s11;
	s11 =	simm.s32 $0x1;
	s7 =	sadd.s32 $0x1200, s7  }
.LBB2_1:
0x12: {  	[tilespmem:s2], [sflag:$0x1] =	stream.strided.gather [hbm4b:s3+s9], $0x1000, s10, s9, $0x38;
	[tilespmem:$0x1D080] =	vst v63  }
0x13: {  	_ =	swait.ge [sflag:s11], $0x1000  }
0x14: {  	[sflag:s11] =	ssyncset.done $0x0  }
0x15: {  	[sflag:s11] =	ssyncadd.s32 $0xFFFFF000  }
0x16: {  	[tilespmem:s12], [sflag:$0x1] =	stream.strided.gather [hbm4b:s4+s9], $0x1000, s10, s9, $0x38;
	[tilespmem:$0x1D080] =	vst v63  }
0x17: {  	_ =	swait.ge [sflag:s11], $0x1000  }
0x18: {  	[sflag:s11] =	ssyncset.done $0x0  }
0x19: {  	[sflag:s11] =	ssyncadd.s32 $0xFFFFF000  }
0x1a: {  	[tilespmem:s13], [sflag:$0x1] =	stream.strided.gather [hbm4b:s5+s9], $0x9000, s10, s9, $0x38;
	[tilespmem:$0x1D080] =	vst v63  }
0x1b: {  	_ =	swait.ge [sflag:s11], $0x9000  }
0x1c: {  	[sflag:s11] =	ssyncset.done $0x0  }
0x1d: {  	s18 =	simm.s32 $0x0;
	s19 =	simm.s32 $0x0;
	[sflag:s11] =	ssyncadd.s32 $0xFFFF7000  }
.LBB2_2:
0x1e: {  	v6 =	vld [tilespmem:s18+$0x0];
	_ =	sdelay $0x2  }
0x1f: {  	p0 =	sne.s32 s19, $0xFF0  }
.Ltmp0:
0x20: {  	_ = 	snop;
	(pc) =	sbr.rel @p0 .LBB2_2-.Ltmp0, $3  }
0x21: {  	_ =	sdelay $0x1  }
0x22: {  	v7 =	vor.u32 s19, v1  }
0x23: {  	s18 =	sadd.s32 $0x10, s18;
	s19 =	sadd.s32 $0x10, s19;
	[tilespmem:v6+s14+$0x0] =	vst.idx.msk $0xffff, v7  }
0x24: {  	s18 =	simm.s32 $0x0;
	s19 =	simm.s32 $0x0  }
.LBB2_4:
0x25: {  	s20 =	sshra.s32 s19, $0x2  }
0x26: {  	v6 =	vld [tilespmem:s20+$0xB000];
	_ =	sdelay $0x7  }
0x27: {  	v7 =	vld.idx.msk [tilespmem:v6+s12+$0x0], $0xffff;
	_ =	sdelay $0x4  }
0x28: {  	v8 =	vand.u32 $0xFF, v7;
	v7 =	vshrl.u32 v7, $0x8  }
0x29: {  	vm0 =	vle.u32 v8, v0;
	vm1 =	vle.u32 v0, v7  }
0x2a: {  	vm0 =	vmand vm0, vm1  }
0x2b: {  	v7 =	vsel vm0, $0x1, v2  }
0x2c: {  	(xrf0) =	vadd.scan.msk.s32 $0xffff, v7;
	_ =	sdelay $0x2  }
0x2d: {  	v7 =	vmov s18  }
0x2e: {  	v6 =	vmul.u32 $0x9, v6;
	v7 =	vadd.s32 $0xFFFFFFFF, v7  }
0x2f: {  	v7 =	vbroadcast v7, $0x0  }
0x30: {  	v48, _, _ =	vpop (xrf0)  }
0x31: {  	v7 =	vadd.s32 v48, v7  }
0x32: {  	v9 =	vshll.u32 v7, $0x3  }
0x33: {  	v7 =	vand.u32 $0x7F, v7;
	v9 =	vand.u32 $0xFFFFF400, v9  }
0x34: {  	v10 =	vld.idx.msk [tilespmem:v6+s13+$0x0], $0xffff;
	v7 =	vor.u32 v7, v9  }
0x35: {  	v49 =	vadd.s32 $0x1, v6;
	_ =	sdelay $0x3  }
0x36: {  	[tilespmem:v7+s15+$0x0] =	vst.idx.msk vm0, v10  }
0x37: {  	v50 =	vor.u32 $0x80, v7;
	v9 =	vld.idx.msk [tilespmem:v49+s13+$0x0], $0xffff  }
0x38: {  	v11 =	vadd.s32 $0x2, v6;
	_ =	sdelay $0x3  }
0x39: {  	[tilespmem:v50+s15+$0x0] =	vst.idx.msk vm0, v9  }
0x3a: {  	v9 =	vld.idx.msk [tilespmem:v11+s13+$0x0], $0xffff;
	_ =	sdelay $0x1  }
0x3b: {  	v51 =	vor.u32 $0x100, v7  }
0x3c: {  	v52 =	vadd.s32 $0x3, v6;
	_ =	sdelay $0x1  }
0x3d: {  	v9 =	vmul.f32 $-5.000000000e-01, v9;
	_ =	sdelay $0x1  }
0x3e: {  	[tilespmem:v51+s15+$0x0] =	vst.idx.msk vm0, v9  }
0x3f: {  	v9 =	vld.idx.msk [tilespmem:v52+s13+$0x0], $0xffff  }
0x40: {  	v53 =	vor.u32 $0x180, v7  }
0x41: {  	v54 =	vadd.s32 $0x4, v6;
	_ =	sdelay $0x2  }
0x42: {  	v9 =	vxor.u32 $0x80000000, v9  }
0x43: {  	[tilespmem:v53+s15+$0x0] =	vst.idx.msk vm0, v9  }
0x44: {  	v9 =	vld.idx.msk [tilespmem:v54+s13+$0x0], $0xffff;
	_ =	sdelay $0x1  }
0x45: {  	v55 =	vor.u32 $0x200, v7  }
0x46: {  	v56 =	vadd.s32 $0x5, v6;
	_ =	sdelay $0x1  }
0x47: {  	v9 =	vmul.f32 $-5.000000000e-01, v9  }
0x48: {  	v8 =	vxor.u32 $0x80000000, v48  }
0x49: {  	(xrf0) =	vmax.scan.msk.u32 $0xffff, v8;
	[tilespmem:v55+s15+$0x0] =	vst.idx.msk vm0, v9  }
0x4a: {  	v58 =	vor.u32 $0x280, v7;
	v57 =	vld.idx.msk [tilespmem:v56+s13+$0x0], $0xffff  }
0x4b: {  	v59 =	vadd.s32 $0x6, v6;
	_ =	sdelay $0x3  }
0x4c: {  	v60, _, _ =	vpop (xrf0);
	[tilespmem:v58+s15+$0x0] =	vst.idx.msk vm0, v57  }
0x4d: {  	v61 =	vor.u32 $0x300, v7;
	(v2sf) =	vpush v60, $0xF;
	v9 =	vld.idx.msk [tilespmem:v59+s13+$0x0], $0xffff  }
0x4e: {  	v62 =	vadd.s32 $0x7, v6;
	_ =	sdelay $0x3  }
0x4f: {  	[tilespmem:v61+s15+$0x0] =	vst.idx.msk vm0, v9  }
0x50: {  	v63 =	vor.u32 $0x380, v7;
	v8 =	vld.idx.msk [tilespmem:v62+s13+$0x0], $0xffff  }
0x51: {  	v6 =	vadd.s32 $0x8, v6;
	_ =	sdelay $0x3  }
0x52: {  	[tilespmem:v63+s15+$0x0] =	vst.idx.msk vm0, v8  }
0x53: {  	p0 =	sne.s32 s19, $0x3FC0;
	v7 =	vor.u32 $0x800, v7;
	v6 =	vld.idx.msk [tilespmem:v6+s13+$0x0], $0xffff  }
.Ltmp1:
0x54: {  	_ = 	snop;
	(pc) =	sbr.rel @p0 .LBB2_4-.Ltmp1, $4  }
0x55: {  	_ = 	snop  }
0x56: {  	s21 =	spop (v2sf)  }
0x57: {  	s31 =	sadd.s32 s21, s18  }
0x58: {  	s19 =	sadd.s32 $0x40, s19;
	s20 =	smov.u32 s18;
	s18 =	sadd.s32 $0x80000000, s31;
	[tilespmem:v7+s15+$0x0] =	vst.idx.msk vm0, v6  }
0x59: {  	s19 =	sadd.s32 s20, s21  }
0x5a: {  	s19 =	sadd.s32 $0x80000000, s19  }
0x5b: {  	s29 =	sadd.s32 $0xFF, s18;
	s30 =	sadd.s32 $0x0, s19  }
0x5c: {  	s20 =	sand.u32 $0xFFFFFF00, s29;
	v7 =	vadd.s32 s30, v1  }
0x5d: {  	v6 =	vmov s20;
	v8 =	vshll.u32 v7, $0x3  }
0x5e: {  	vm1 =	vlt.s32 v7, v6;
	v7 =	vand.u32 $0x7F, v7;
	v8 =	vand.u32 $0xFFFFF400, v8  }
0x5f: {  	v8 =	vor.u32 v7, v8  }
0x60: {  	v7 =	vor.u32 $0x80, v8  }
0x61: {  	v9 =	vor.u32 $0x100, v8  }
0x62: {  	v10 =	vor.u32 $0x180, v8  }
0x63: {  	v11 =	vor.u32 $0x200, v8  }
0x64: {  	vm0 =	vmmov vm1;
	[tilespmem:v8+s15+$0x0] =	vst.idx.msk vm1, v3  }
0x65: {  	s31 =	sadd.s32 $0x10, s19;
	v12 =	vor.u32 $0x280, v8;
	[tilespmem:v7+s15+$0x0] =	vst.idx.msk vm1, v3  }
0x66: {  	v13 =	vor.u32 $0x300, v8;
	v7 =	vadd.s32 s31, v1;
	[tilespmem:v9+s15+$0x0] =	vst.idx.msk vm1, v4  }
0x67: {  	v14 =	vor.u32 $0x380, v8;
	v9 =	vshll.u32 v7, $0x3;
	[tilespmem:v10+s15+$0x0] =	vst.idx.msk vm1, v5  }
0x68: {  	v10 =	vand.u32 $0x7F, v7;
	v9 =	vand.u32 $0xFFFFF400, v9;
	[tilespmem:v11+s15+$0x0] =	vst.idx.msk vm1, v4;
	v11 =	vor.u32 $0x800, v8  }
0x69: {  	vm1 =	vlt.s32 v7, v6;
	v7 =	vor.u32 v10, v9  }
0x6a: {  	[tilespmem:v12+s15+$0x0] =	vst.idx.msk vm0, v5;
	v10 =	vor.u32 $0x80, v7  }
0x6b: {  	v12 =	vor.u32 $0x100, v7;
	[tilespmem:v13+s15+$0x0] =	vst.idx.msk vm0, v5  }
0x6c: {  	s20 =	simm.s32 $0x20;
	vm2 =	vmmov vm1;
	v8 =	vor.u32 $0x200, v7;
	v9 =	vor.u32 $0x180, v7;
	[tilespmem:v14+s15+$0x0] =	vst.idx.msk vm0, v5  }
.LBB2_6:
0x6d: {  	p0 =	sne.s32 s20, $0xF0;
	[tilespmem:v11+s15+$0x0] =	vst.idx.msk vm0, v5;
	vm0 =	vmmov vm1;
	s21 =	smov.u32 s20;
	s20 =	sadd.s32 $0x10, s20  }
0x6e: {  	v13 =	vor.u32 $0x280, v7;
	s21 =	sadd.s32 s21, s19;
	[tilespmem:v7+s15+$0x0] =	vst.idx.msk vm1, v3  }
0x6f: {  	v15 =	vor.u32 $0x300, v7;
	v14 =	vadd.s32 s21, v1;
	[tilespmem:v10+s15+$0x0] =	vst.idx.msk vm1, v3  }
0x70: {  	v16 =	vor.u32 $0x380, v7;
	v11 =	vor.u32 $0x800, v7;
	v10 =	vshll.u32 v14, $0x3;
	[tilespmem:v12+s15+$0x0] =	vst.idx.msk vm1, v4  }
.Ltmp2:
0x71: {  	v7 =	vand.u32 $0x7F, v14;
	v10 =	vand.u32 $0xFFFFF400, v10;
	[tilespmem:v9+s15+$0x0] =	vst.idx.msk vm1, v5;
	vm1 =	vlt.s32 v14, v6;
	(pc) =	sbr.rel @p0 .LBB2_6-.Ltmp2, $4  }
0x72: {  	v7 =	vor.u32 v7, v10;
	[tilespmem:v8+s15+$0x0] =	vst.idx.msk vm2, v4;
	vm2 =	vmmov vm1  }
0x73: {  	v10 =	vor.u32 $0x80, v7;
	v8 =	vor.u32 $0x200, v7;
	[tilespmem:v13+s15+$0x0] =	vst.idx.msk vm0, v5  }
0x74: {  	v12 =	vor.u32 $0x100, v7;
	[tilespmem:v15+s15+$0x0] =	vst.idx.msk vm0, v5  }
0x75: {  	v9 =	vor.u32 $0x180, v7;
	[tilespmem:v16+s15+$0x0] =	vst.idx.msk vm0, v5  }
0x76: {  	_ =	sdelay $0x4  }
0x77: {  	[tilespmem:v11+s15+$0x0] =	vst.idx.msk vm0, v5  }
0x78: {  	v6 =	vor.u32 $0x280, v7;
	[tilespmem:v7+s15+$0x0] =	vst.idx.msk vm1, v3  }
0x79: {  	v62 =	vor.u32 $0x300, v7;
	[tilespmem:v10+s15+$0x0] =	vst.idx.msk vm1, v3  }
0x7a: {  	v63 =	vor.u32 $0x380, v7;
	[tilespmem:v12+s15+$0x0] =	vst.idx.msk vm1, v4  }
0x7b: {  	v7 =	vor.u32 $0x800, v7;
	[tilespmem:v9+s15+$0x0] =	vst.idx.msk vm1, v5  }
0x7c: {  	[tilespmem:v8+s15+$0x0] =	vst.idx.msk vm2, v4  }
0x7d: {  	[tilespmem:v6+s15+$0x0] =	vst.idx.msk vm1, v5  }
0x7e: {  	[tilespmem:v62+s15+$0x0] =	vst.idx.msk vm1, v5  }
0x7f: {  	[tilespmem:v63+s15+$0x0] =	vst.idx.msk vm1, v5  }
0x80: {  	v6 =	vmov s18;
	[tilespmem:v7+s15+$0x0] =	vst.idx.msk vm1, v5  }
0x81: {  	[tilespmem:$0x1D000] =	vst v6  }
0x82: {  	[hbm4b:s6+s2] =	stream.linear.scatter [tilespmem:s15], [sflag:$0x1], $0x11000, $0x38;
	[tilespmem:$0x1D080] =	vst v63  }
0x83: {  	s17 =	sadd.s32 $0x1, s17;
	_ =	swait.ge [sflag:s11], $0x11000  }
0x84: {  	p0 =	sne.s32 s17, s8;
	[sflag:s11] =	ssyncset.done $0x0  }
.Ltmp3:
0x85: {  	[sflag:s11] =	ssyncadd.s32 $0xFFFEF000;
	(pc) =	sbr.rel @p0 .LBB2_1-.Ltmp3, $4  }
0x86: {  	[hbm4b:s7+s2] =	stream.linear.scatter [tilespmem:s16], [sflag:$0x1], $0x80, $0x38;
	[tilespmem:$0x1D080] =	vst v63  }
0x87: {  	_ =	swait.ge [sflag:s11], $0x80  }
0x88: {  	[sflag:s11] =	ssyncset.done $0x0  }
0x89: {  	vm15 =	vmmov vm1;
	[sflag:s11] =	ssyncadd.s32 $0xFFFFFF80  }
0x8a: {  	_ =	sfence.sel $0x180000  }
0x8b: {  	[bflag:$0x0] =	sbarrier.arrive $0xFFFF  }
0x8c: {  	p0 =	sne.s32 s1, $0x0;
	_ =	strace $0x90000047  }
0x8d: {  	s0 =	sadd.s32 @!p0 $0x100000, s0;
	[bflag:$0x2] =	sbarrier.arrive $0xFFFF  }
0x8e: {  	[sflag:s0] =	ssyncadd.tile.s32 @!p0 $0x1;
	_ =	shalt  }
.Lfunc_end2:
_tile_overlayer_lowered:
.L_overlay_start_2:
0x8f: {  	(tag) =	ssettag $0x2  }
0x90: {  	s0 =	rddreg [dreg:$0x0];
	s2 =	stileid.u32  }
0x91: {  	s1 =	rddreg [dreg:$0x1];
	p0 =	sne.s32 s2, $0x0  }
0x92: {  	s3 =	rddreg [dreg:$0x2];
	[bflag:$0x3] =	sbarrier.arrive $0xFFFF;
	s2 =	simm.s32 @!p0 $0x1C01  }
0x93: {  	[timem:s3], [sflag:s2] =	dma.local @!p0 [hbm:s0], s1  }
0x94: {  	s0 =	simm.s32 @!p0 $0x1  }
0x95: {  	_ =	swait.ge @!p0 [sflag:s0], s1  }
0x96: {  	s1 =	ssub.s32 @!p0 $0x0, s1;
	[sflag:s0] =	ssyncset.done @!p0 $0x0  }
0x97: {  	[sflag:s0] =	ssyncadd.s32 @!p0 s1  }
0x98: {  	[bflag:$0x3] =	sbarrier.arrive $0xFFFF  }
0x99: {  	_ =	shalt  }

</sc_bundles>
